<compile_context>
chip_gen: v7x
topology: tpu7x:2x2x1
jax: 0.10.2.dev20260603
libtpu: 0.0.44.dev20260713+nightly
codegen_flags: <defaults>
</compile_context>

<pallas_src>
import functools

import jax
import jax.numpy as jnp
from jax import lax
from jax.experimental import pallas as pl
from jax.experimental.pallas import tpu as pltpu
from jax.experimental.pallas import tpu_sc as plsc

N_NODES = 10000
N_EDGES = 320000
D = 128

NC = 2
NS = 16
NW = NC * NS
CHUNK = 128
CROWS = N_EDGES // CHUNK
CROWS_P = 2504
RPW = 80
RPH = RPW // 2
RLAST = CROWS - 31 * RPW
RLOAD = 24
NPAD = 10240
ROWS_PER_TILE = NPAD // NS


def _sc_aggregate(x, edges):
    mesh = plsc.VectorSubcoreMesh(core_axis_name="c", subcore_axis_name="s")

    @functools.partial(
        pl.kernel,
        mesh=mesh,
        out_type=jax.ShapeDtypeStruct((NC, NPAD, D), jnp.float32),
        scratch_types=[
            pltpu.VMEM((RPH, CHUNK), jnp.int32),
            pltpu.VMEM((RPH, CHUNK), jnp.int32),
            pltpu.VMEM((CHUNK, D), jnp.float32),
            pltpu.VMEM((CHUNK, D), jnp.float32),
            pltpu.VMEM_SHARED((NPAD, D), jnp.float32),
            pltpu.SemaphoreType.DMA,
            pltpu.SemaphoreType.DMA,
        ],
    )
    def agg_kernel(x_hbm, edges_hbm, out_hbm,
                   srcv, dstv, rows_a, rows_b, agg_sh, sem_a, sem_b):
        cid = lax.axis_index("c")
        sid = lax.axis_index("s")
        wid = sid * NC + cid

        zv = jnp.zeros((16,), jnp.float32)

        def zrow(i, carry):
            for c in range(D // 16):
                rows_a[i, pl.ds(c * 16, 16)] = zv
            return carry

        lax.fori_loop(0, CHUNK, zrow, 0)
        for q in range(ROWS_PER_TILE // CHUNK):
            pltpu.sync_copy(
                rows_a,
                agg_sh.at[pl.ds(sid * ROWS_PER_TILE + q * CHUNK, CHUNK)])
        plsc.subcore_barrier()

        def run_slab(hbase, nload, n):
            pltpu.sync_copy(edges_hbm.at[0, pl.ds(hbase, nload)],
                            srcv.at[pl.ds(0, nload)])
            pltpu.async_copy(x_hbm.at[srcv.at[0]], rows_a, sem_a)
            pltpu.sync_copy(edges_hbm.at[1, pl.ds(hbase, nload)],
                            dstv.at[pl.ds(0, nload)])

            def body(k, carry):
                j0 = 2 * k
                j1 = j0 + 1
                pltpu.async_copy(x_hbm.at[srcv.at[j1]], rows_b, sem_b)
                pltpu.make_async_copy(
                    x_hbm.at[srcv.at[j0]], rows_a, sem_a).wait()
                pltpu.sync_copy(rows_a, agg_sh.at[dstv.at[j0]], add=True)
                pltpu.async_copy(x_hbm.at[srcv.at[j0 + 2]], rows_a, sem_a)
                pltpu.make_async_copy(
                    x_hbm.at[srcv.at[j1]], rows_b, sem_b).wait()
                pltpu.sync_copy(rows_b, agg_sh.at[dstv.at[j1]], add=True)
                return carry

            lax.fori_loop(0, n // 2 - 1, body, 0)

            pltpu.async_copy(x_hbm.at[srcv.at[n - 1]], rows_b, sem_b)
            pltpu.make_async_copy(x_hbm.at[srcv.at[n - 2]], rows_a,
                                  sem_a).wait()
            pltpu.sync_copy(rows_a, agg_sh.at[dstv.at[n - 2]], add=True)
            pltpu.make_async_copy(x_hbm.at[srcv.at[n - 1]], rows_b,
                                  sem_b).wait()
            pltpu.sync_copy(rows_b, agg_sh.at[dstv.at[n - 1]], add=True)

        rbase = wid * RPW

        @pl.when(wid < NW - 1)
        def _():
            run_slab(rbase, RPH, RPH)
            run_slab(rbase + RPH, RPH, RPH)

        @pl.when(wid == NW - 1)
        def _():
            run_slab(rbase, RLOAD, RLAST)

        plsc.subcore_barrier()
        pltpu.sync_copy(
            agg_sh.at[pl.ds(sid * ROWS_PER_TILE, ROWS_PER_TILE)],
            out_hbm.at[cid, pl.ds(sid * ROWS_PER_TILE, ROWS_PER_TILE)])

    return agg_kernel(x, edges)


BN = 2000


def _tc_finish(parts, x, W):
    def body(p_ref, x_ref, w_ref, o_ref):
        agg = p_ref[0] + p_ref[1]
        h = lax.dot_general(agg, w_ref[...], (((1,), (1,)), ((), ())),
                            preferred_element_type=jnp.float32)
        o_ref[...] = jnp.maximum(h, 0.0) + x_ref[...]

    return pl.pallas_call(
        body,
        grid=(N_NODES // BN,),
        in_specs=[
            pl.BlockSpec((NC, BN, D), lambda i: (0, i, 0)),
            pl.BlockSpec((BN, D), lambda i: (i, 0)),
            pl.BlockSpec((D, D), lambda i: (0, 0)),
        ],
        out_specs=pl.BlockSpec((BN, D), lambda i: (i, 0)),
        out_shape=jax.ShapeDtypeStruct((N_NODES, D), jnp.float32),
    )(parts, x, W)


def kernel(x, edge_index, W):
    pad = (CROWS_P - CROWS) * CHUNK
    edges = jnp.concatenate(
        [edge_index.astype(jnp.int32),
         jnp.zeros((2, pad), jnp.int32)], axis=1).reshape(2, CROWS_P, CHUNK)
    parts = _sc_aggregate(x, edges)
    return _tc_finish(parts, x, W)

# --- scband reference (transcript-rebuilt; emitter-appended) ---
"""Pipeline reference for scband-gcn-mc-39247411151090 (READ-ONLY COPY).

The authoritative reference and input builder live on the scoring server;
editing this copy changes nothing except your own understanding.
"""

import jax, jax.numpy as jnp
import numpy as np

N_NODES = 10000
N_EDGES = 320000
D_IN = 128
D_OUT = 128

def setup_inputs(seed: int = 0) -> dict:
    key = jax.random.key(seed)
    k1, k2, k3 = jax.random.split(key, 3)
    x = jax.random.normal(k1, (N_NODES, D_IN), dtype=jnp.float32)
    edge_index = jax.random.randint(k2, (2, N_EDGES), 0, N_NODES, dtype=jnp.int64)
    # nn.Linear(in_channels, out_channels, bias=False) weight: [out, in]
    limit = 1.0 / np.sqrt(D_IN)
    W = jax.random.uniform(k3, (D_OUT, D_IN), dtype=jnp.float32, minval=-limit, maxval=limit)
    return {"x": x, "edge_index": edge_index, "W": W}

def reference(x, edge_index, W):
    # DGL update_all(copy_src('x'), sum over mailbox):
    # each edge copies src node features; dst nodes sum incoming messages.
    src = edge_index[0]
    dst = edge_index[1]
    messages = jnp.take(x, src, axis=0)                      # gather [E, D]
    agg = jnp.zeros((x.shape[0], x.shape[1]), dtype=x.dtype).at[dst].add(messages)  # scatter-add
    # linear1 (no bias)
    h = agg @ W.T
    # dropout is identity at inference
    h = jax.nn.relu(h)
    # is_normalize = False -> skip F.normalize
    # residual: h += h_in (original input features)
    h = h + x
    return h

if __name__ == "__main__":
    import jax
    _d = setup_inputs()
    print(jax.jit(kernel)(*tuple(_d.values())))

</pallas_src>

<mosaic_0001>
#map = affine_map<(d0, d1) -> (0, 0)>
#map1 = affine_map<(d0, d1) -> (0, 0, 0)>
module attributes {stable_mosaic.version = 14 : i64} {
  func.func @agg_kernel(%arg0: i32, %arg1: i32, %arg2: memref<10000x128xf32, #tpu.memory_space<hbm>>, %arg3: memref<2x2504x128xi32, #tpu.memory_space<hbm>>, %arg4: memref<2x10240x128xf32, #tpu.memory_space<hbm>>, %arg5: memref<40x128xi32, #tpu.memory_space<vmem>>, %arg6: memref<40x128xi32, #tpu.memory_space<vmem>>, %arg7: memref<128x128xf32, #tpu.memory_space<vmem>>, %arg8: memref<128x128xf32, #tpu.memory_space<vmem>>, %arg9: memref<10240x128xf32, #tpu.memory_space<vmem_shared>>, %arg10: memref<!tpu.dma_semaphore, #tpu.memory_space<semaphore_mem>>, %arg11: memref<!tpu.dma_semaphore, #tpu.memory_space<semaphore_mem>>) attributes {dimension_semantics = [#tpu.dimension_semantics<core_parallel>, #tpu.dimension_semantics<subcore_parallel>], iteration_bounds = array<i64: 2, 16>, scalar_prefetch = 0 : i64, scratch_operands = 7 : i64, tpu.core_type = #tpu.core_type<sc_vector_subcore>, window_params = [{transform_indices = #map}, {transform_indices = #map1}, {transform_indices = #map1}]} {
    %mul3A = arith.constant 2 : i32
    %mul3A_0 = arith.muli %arg1, %mul3A : i32
    %add3A = arith.addi %mul3A_0, %arg0 : i32
    %broadcast_in_dim3A = arith.constant 0.000000e+00 : f32
    %broadcast_in_dim3A_1 = vector.broadcast %broadcast_in_dim3A : f32 to vector<16xf32>
    %scan3A = arith.constant 0 : i32
    %scan3A_2 = arith.constant 0 : i32
    %scan3A_3 = arith.constant 128 : i32
    %scan3A_4 = arith.addi %scan3A_2, %scan3A_3 : i32
    %scan3A_5 = arith.constant 1 : i32
    scf.for %scan3A_40 = %scan3A_2 to %scan3A_4 step %scan3A_5  : i32 {
      %swap3A = arith.index_cast %scan3A_40 : i32 to index
      %swap3A_41 = arith.constant 0 : index
      %swap3A_42 = tpu.vector_load %arg7[%swap3A, %swap3A_41] {strides = array<i32>} : memref<128x128xf32, #tpu.memory_space<vmem>>, vector<1x16xf32>,
      %swap3A_43 = vector.shape_cast %swap3A_42 : vector<1x16xf32> to vector<16xf32>
      %swap3A_44 = vector.shape_cast %broadcast_in_dim3A_1 : vector<16xf32> to vector<1x16xf32>
      tpu.vector_store %arg7[%swap3A, %swap3A_41], %swap3A_44 {strides = array<i32>} : memref<128x128xf32, #tpu.memory_space<vmem>>, vector<1x16xf32>,
      %swap3A_45 = arith.index_cast %scan3A_40 : i32 to index
      %swap3A_46 = arith.constant 16 : index
      %swap3A_47 = tpu.vector_load %arg7[%swap3A_45, %swap3A_46] {strides = array<i32>} : memref<128x128xf32, #tpu.memory_space<vmem>>, vector<1x16xf32>,
      %swap3A_48 = vector.shape_cast %swap3A_47 : vector<1x16xf32> to vector<16xf32>
      %swap3A_49 = vector.shape_cast %broadcast_in_dim3A_1 : vector<16xf32> to vector<1x16xf32>
      tpu.vector_store %arg7[%swap3A_45, %swap3A_46], %swap3A_49 {strides = array<i32>} : memref<128x128xf32, #tpu.memory_space<vmem>>, vector<1x16xf32>,
      %swap3A_50 = arith.index_cast %scan3A_40 : i32 to index
      %swap3A_51 = arith.constant 32 : index
      %swap3A_52 = tpu.vector_load %arg7[%swap3A_50, %swap3A_51] {strides = array<i32>} : memref<128x128xf32, #tpu.memory_space<vmem>>, vector<1x16xf32>,
      %swap3A_53 = vector.shape_cast %swap3A_52 : vector<1x16xf32> to vector<16xf32>
      %swap3A_54 = vector.shape_cast %broadcast_in_dim3A_1 : vector<16xf32> to vector<1x16xf32>
      tpu.vector_store %arg7[%swap3A_50, %swap3A_51], %swap3A_54 {strides = array<i32>} : memref<128x128xf32, #tpu.memory_space<vmem>>, vector<1x16xf32>,
      %swap3A_55 = arith.index_cast %scan3A_40 : i32 to index
      %swap3A_56 = arith.constant 48 : index
      %swap3A_57 = tpu.vector_load %arg7[%swap3A_55, %swap3A_56] {strides = array<i32>} : memref<128x128xf32, #tpu.memory_space<vmem>>, vector<1x16xf32>,
      %swap3A_58 = vector.shape_cast %swap3A_57 : vector<1x16xf32> to vector<16xf32>
      %swap3A_59 = vector.shape_cast %broadcast_in_dim3A_1 : vector<16xf32> to vector<1x16xf32>
      tpu.vector_store %arg7[%swap3A_55, %swap3A_56], %swap3A_59 {strides = array<i32>} : memref<128x128xf32, #tpu.memory_space<vmem>>, vector<1x16xf32>,
      %swap3A_60 = arith.index_cast %scan3A_40 : i32 to index
      %swap3A_61 = arith.constant 64 : index
      %swap3A_62 = tpu.vector_load %arg7[%swap3A_60, %swap3A_61] {strides = array<i32>} : memref<128x128xf32, #tpu.memory_space<vmem>>, vector<1x16xf32>,
      %swap3A_63 = vector.shape_cast %swap3A_62 : vector<1x16xf32> to vector<16xf32>
      %swap3A_64 = vector.shape_cast %broadcast_in_dim3A_1 : vector<16xf32> to vector<1x16xf32>
      tpu.vector_store %arg7[%swap3A_60, %swap3A_61], %swap3A_64 {strides = array<i32>} : memref<128x128xf32, #tpu.memory_space<vmem>>, vector<1x16xf32>,
      %swap3A_65 = arith.index_cast %scan3A_40 : i32 to index
      %swap3A_66 = arith.constant 80 : index
      %swap3A_67 = tpu.vector_load %arg7[%swap3A_65, %swap3A_66] {strides = array<i32>} : memref<128x128xf32, #tpu.memory_space<vmem>>, vector<1x16xf32>,
      %swap3A_68 = vector.shape_cast %swap3A_67 : vector<1x16xf32> to vector<16xf32>
      %swap3A_69 = vector.shape_cast %broadcast_in_dim3A_1 : vector<16xf32> to vector<1x16xf32>
      tpu.vector_store %arg7[%swap3A_65, %swap3A_66], %swap3A_69 {strides = array<i32>} : memref<128x128xf32, #tpu.memory_space<vmem>>, vector<1x16xf32>,
      %swap3A_70 = arith.index_cast %scan3A_40 : i32 to index
      %swap3A_71 = arith.constant 96 : index
      %swap3A_72 = tpu.vector_load %arg7[%swap3A_70, %swap3A_71] {strides = array<i32>} : memref<128x128xf32, #tpu.memory_space<vmem>>, vector<1x16xf32>,
      %swap3A_73 = vector.shape_cast %swap3A_72 : vector<1x16xf32> to vector<16xf32>
      %swap3A_74 = vector.shape_cast %broadcast_in_dim3A_1 : vector<16xf32> to vector<1x16xf32>
      tpu.vector_store %arg7[%swap3A_70, %swap3A_71], %swap3A_74 {strides = array<i32>} : memref<128x128xf32, #tpu.memory_space<vmem>>, vector<1x16xf32>,
      %swap3A_75 = arith.index_cast %scan3A_40 : i32 to index
      %swap3A_76 = arith.constant 112 : index
      %swap3A_77 = tpu.vector_load %arg7[%swap3A_75, %swap3A_76] {strides = array<i32>} : memref<128x128xf32, #tpu.memory_space<vmem>>, vector<1x16xf32>,
      %swap3A_78 = vector.shape_cast %swap3A_77 : vector<1x16xf32> to vector<16xf32>
      %swap3A_79 = vector.shape_cast %broadcast_in_dim3A_1 : vector<16xf32> to vector<1x16xf32>
      tpu.vector_store %arg7[%swap3A_75, %swap3A_76], %swap3A_79 {strides = array<i32>} : memref<128x128xf32, #tpu.memory_space<vmem>>, vector<1x16xf32>,
    }
    %scan3A_6 = arith.constant 128 : i32
    %mul3A_7 = arith.constant 640 : i32
    %mul3A_8 = arith.muli %arg1, %mul3A_7 : i32
    %add3A_9 = arith.constant 0 : i32
    %add3A_10 = arith.addi %mul3A_8, %add3A_9 : i32
    "tpu.region"() ({
      %run_scoped3A = tpu.sem_alloc : memref<!tpu.dma_semaphore, #tpu.memory_space<semaphore_mem>>
      %dma_start3A = arith.constant 0 : i32
      %dma_start3A_40 = tpu.memref_slice %arg9[%add3A_10, %dma_start3A] : memref<10240x128xf32, #tpu.memory_space<vmem_shared>> -> memref<128x128xf32, #tpu.memory_space<vmem_shared>>
      %dma_start3A_41 = arith.constant 0 : i32
      %dma_start3A_42 = tpu.memref_slice %arg9[%add3A_10, %dma_start3A_41] : memref<10240x128xf32, #tpu.memory_space<vmem_shared>> -> memref<128x128xf32, #tpu.memory_space<vmem_shared>>
      tpu.enqueue_dma source(%arg7 : memref<128x128xf32, #tpu.memory_space<vmem>>) target(%dma_start3A_42 : memref<128x128xf32, #tpu.memory_space<vmem_shared>>) target_semaphore(%run_scoped3A : memref<!tpu.dma_semaphore, #tpu.memory_space<semaphore_mem>>)
      %dma_wait3A = arith.constant 0 : i32
      %dma_wait3A_43 = tpu.memref_slice %arg9[%add3A_10, %dma_wait3A] : memref<10240x128xf32, #tpu.memory_space<vmem_shared>> -> memref<128x128xf32, #tpu.memory_space<vmem_shared>>
      %dma_wait3A_44 = arith.constant 0 : i32
      %dma_wait3A_45 = tpu.memref_slice %arg9[%add3A_10, %dma_wait3A_44] : memref<10240x128xf32, #tpu.memory_space<vmem_shared>> -> memref<128x128xf32, #tpu.memory_space<vmem_shared>>
      tpu.wait_dma2 semaphore(%run_scoped3A : memref<!tpu.dma_semaphore, #tpu.memory_space<semaphore_mem>>) src(%arg7 : memref<128x128xf32, #tpu.memory_space<vmem>>) dst(%dma_wait3A_45 : memref<128x128xf32, #tpu.memory_space<vmem_shared>>)
      tpu.yield
    }) : () -> ()
    %mul3A_11 = arith.constant 640 : i32
    %mul3A_12 = arith.muli %arg1, %mul3A_11 : i32
    %add3A_13 = arith.constant 128 : i32
    %add3A_14 = arith.addi %mul3A_12, %add3A_13 : i32
    "tpu.region"() ({
      %run_scoped3A = tpu.sem_alloc : memref<!tpu.dma_semaphore, #tpu.memory_space<semaphore_mem>>
      %dma_start3A = arith.constant 0 : i32
      %dma_start3A_40 = tpu.memref_slice %arg9[%add3A_14, %dma_start3A] : memref<10240x128xf32, #tpu.memory_space<vmem_shared>> -> memref<128x128xf32, #tpu.memory_space<vmem_shared>>
      %dma_start3A_41 = arith.constant 0 : i32
      %dma_start3A_42 = tpu.memref_slice %arg9[%add3A_14, %dma_start3A_41] : memref<10240x128xf32, #tpu.memory_space<vmem_shared>> -> memref<128x128xf32, #tpu.memory_space<vmem_shared>>
      tpu.enqueue_dma source(%arg7 : memref<128x128xf32, #tpu.memory_space<vmem>>) target(%dma_start3A_42 : memref<128x128xf32, #tpu.memory_space<vmem_shared>>) target_semaphore(%run_scoped3A : memref<!tpu.dma_semaphore, #tpu.memory_space<semaphore_mem>>)
      %dma_wait3A = arith.constant 0 : i32
      %dma_wait3A_43 = tpu.memref_slice %arg9[%add3A_14, %dma_wait3A] : memref<10240x128xf32, #tpu.memory_space<vmem_shared>> -> memref<128x128xf32, #tpu.memory_space<vmem_shared>>
      %dma_wait3A_44 = arith.constant 0 : i32
      %dma_wait3A_45 = tpu.memref_slice %arg9[%add3A_14, %dma_wait3A_44] : memref<10240x128xf32, #tpu.memory_space<vmem_shared>> -> memref<128x128xf32, #tpu.memory_space<vmem_shared>>
      tpu.wait_dma2 semaphore(%run_scoped3A : memref<!tpu.dma_semaphore, #tpu.memory_space<semaphore_mem>>) src(%arg7 : memref<128x128xf32, #tpu.memory_space<vmem>>) dst(%dma_wait3A_45 : memref<128x128xf32, #tpu.memory_space<vmem_shared>>)
      tpu.yield
    }) : () -> ()
    %mul3A_15 = arith.constant 640 : i32
    %mul3A_16 = arith.muli %arg1, %mul3A_15 : i32
    %add3A_17 = arith.constant 256 : i32
    %add3A_18 = arith.addi %mul3A_16, %add3A_17 : i32
    "tpu.region"() ({
      %run_scoped3A = tpu.sem_alloc : memref<!tpu.dma_semaphore, #tpu.memory_space<semaphore_mem>>
      %dma_start3A = arith.constant 0 : i32
      %dma_start3A_40 = tpu.memref_slice %arg9[%add3A_18, %dma_start3A] : memref<10240x128xf32, #tpu.memory_space<vmem_shared>> -> memref<128x128xf32, #tpu.memory_space<vmem_shared>>
      %dma_start3A_41 = arith.constant 0 : i32
      %dma_start3A_42 = tpu.memref_slice %arg9[%add3A_18, %dma_start3A_41] : memref<10240x128xf32, #tpu.memory_space<vmem_shared>> -> memref<128x128xf32, #tpu.memory_space<vmem_shared>>
      tpu.enqueue_dma source(%arg7 : memref<128x128xf32, #tpu.memory_space<vmem>>) target(%dma_start3A_42 : memref<128x128xf32, #tpu.memory_space<vmem_shared>>) target_semaphore(%run_scoped3A : memref<!tpu.dma_semaphore, #tpu.memory_space<semaphore_mem>>)
      %dma_wait3A = arith.constant 0 : i32
      %dma_wait3A_43 = tpu.memref_slice %arg9[%add3A_18, %dma_wait3A] : memref<10240x128xf32, #tpu.memory_space<vmem_shared>> -> memref<128x128xf32, #tpu.memory_space<vmem_shared>>
      %dma_wait3A_44 = arith.constant 0 : i32
      %dma_wait3A_45 = tpu.memref_slice %arg9[%add3A_18, %dma_wait3A_44] : memref<10240x128xf32, #tpu.memory_space<vmem_shared>> -> memref<128x128xf32, #tpu.memory_space<vmem_shared>>
      tpu.wait_dma2 semaphore(%run_scoped3A : memref<!tpu.dma_semaphore, #tpu.memory_space<semaphore_mem>>) src(%arg7 : memref<128x128xf32, #tpu.memory_space<vmem>>) dst(%dma_wait3A_45 : memref<128x128xf32, #tpu.memory_space<vmem_shared>>)
      tpu.yield
    }) : () -> ()
    %mul3A_19 = arith.constant 640 : i32
    %mul3A_20 = arith.muli %arg1, %mul3A_19 : i32
    %add3A_21 = arith.constant 384 : i32
    %add3A_22 = arith.addi %mul3A_20, %add3A_21 : i32
    "tpu.region"() ({
      %run_scoped3A = tpu.sem_alloc : memref<!tpu.dma_semaphore, #tpu.memory_space<semaphore_mem>>
      %dma_start3A = arith.constant 0 : i32
      %dma_start3A_40 = tpu.memref_slice %arg9[%add3A_22, %dma_start3A] : memref<10240x128xf32, #tpu.memory_space<vmem_shared>> -> memref<128x128xf32, #tpu.memory_space<vmem_shared>>
      %dma_start3A_41 = arith.constant 0 : i32
      %dma_start3A_42 = tpu.memref_slice %arg9[%add3A_22, %dma_start3A_41] : memref<10240x128xf32, #tpu.memory_space<vmem_shared>> -> memref<128x128xf32, #tpu.memory_space<vmem_shared>>
      tpu.enqueue_dma source(%arg7 : memref<128x128xf32, #tpu.memory_space<vmem>>) target(%dma_start3A_42 : memref<128x128xf32, #tpu.memory_space<vmem_shared>>) target_semaphore(%run_scoped3A : memref<!tpu.dma_semaphore, #tpu.memory_space<semaphore_mem>>)
      %dma_wait3A = arith.constant 0 : i32
      %dma_wait3A_43 = tpu.memref_slice %arg9[%add3A_22, %dma_wait3A] : memref<10240x128xf32, #tpu.memory_space<vmem_shared>> -> memref<128x128xf32, #tpu.memory_space<vmem_shared>>
      %dma_wait3A_44 = arith.constant 0 : i32
      %dma_wait3A_45 = tpu.memref_slice %arg9[%add3A_22, %dma_wait3A_44] : memref<10240x128xf32, #tpu.memory_space<vmem_shared>> -> memref<128x128xf32, #tpu.memory_space<vmem_shared>>
      tpu.wait_dma2 semaphore(%run_scoped3A : memref<!tpu.dma_semaphore, #tpu.memory_space<semaphore_mem>>) src(%arg7 : memref<128x128xf32, #tpu.memory_space<vmem>>) dst(%dma_wait3A_45 : memref<128x128xf32, #tpu.memory_space<vmem_shared>>)
      tpu.yield
    }) : () -> ()
    %mul3A_23 = arith.constant 640 : i32
    %mul3A_24 = arith.muli %arg1, %mul3A_23 : i32
    %add3A_25 = arith.constant 512 : i32
    %add3A_26 = arith.addi %mul3A_24, %add3A_25 : i32
    "tpu.region"() ({
      %run_scoped3A = tpu.sem_alloc : memref<!tpu.dma_semaphore, #tpu.memory_space<semaphore_mem>>
      %dma_start3A = arith.constant 0 : i32
      %dma_start3A_40 = tpu.memref_slice %arg9[%add3A_26, %dma_start3A] : memref<10240x128xf32, #tpu.memory_space<vmem_shared>> -> memref<128x128xf32, #tpu.memory_space<vmem_shared>>
      %dma_start3A_41 = arith.constant 0 : i32
      %dma_start3A_42 = tpu.memref_slice %arg9[%add3A_26, %dma_start3A_41] : memref<10240x128xf32, #tpu.memory_space<vmem_shared>> -> memref<128x128xf32, #tpu.memory_space<vmem_shared>>
      tpu.enqueue_dma source(%arg7 : memref<128x128xf32, #tpu.memory_space<vmem>>) target(%dma_start3A_42 : memref<128x128xf32, #tpu.memory_space<vmem_shared>>) target_semaphore(%run_scoped3A : memref<!tpu.dma_semaphore, #tpu.memory_space<semaphore_mem>>)
      %dma_wait3A = arith.constant 0 : i32
      %dma_wait3A_43 = tpu.memref_slice %arg9[%add3A_26, %dma_wait3A] : memref<10240x128xf32, #tpu.memory_space<vmem_shared>> -> memref<128x128xf32, #tpu.memory_space<vmem_shared>>
      %dma_wait3A_44 = arith.constant 0 : i32
      %dma_wait3A_45 = tpu.memref_slice %arg9[%add3A_26, %dma_wait3A_44] : memref<10240x128xf32, #tpu.memory_space<vmem_shared>> -> memref<128x128xf32, #tpu.memory_space<vmem_shared>>
      tpu.wait_dma2 semaphore(%run_scoped3A : memref<!tpu.dma_semaphore, #tpu.memory_space<semaphore_mem>>) src(%arg7 : memref<128x128xf32, #tpu.memory_space<vmem>>) dst(%dma_wait3A_45 : memref<128x128xf32, #tpu.memory_space<vmem_shared>>)
      tpu.yield
    }) : () -> ()
    %barrier3A = arith.constant 0 : index
    tpu.barrier barrier_id(%barrier3A)
    %mul3A_27 = arith.constant 80 : i32
    %mul3A_28 = arith.muli %add3A, %mul3A_27 : i32
    %lt3A = arith.constant 31 : i32
    %lt3A_29 = arith.cmpi slt, %add3A, %lt3A : i32
    %convert_element_type3A = arith.extui %lt3A_29 : i1 to i32
    %cond3A = arith.constant 0 : i32
    %cond3A_30 = arith.cmpi ne, %convert_element_type3A, %cond3A : i32
    scf.if %cond3A_30 {
      %run_scoped3A = arith.constant 0 : i32
      "tpu.region"() ({
        %run_scoped3A_115 = tpu.sem_alloc : memref<!tpu.dma_semaphore, #tpu.memory_space<semaphore_mem>>
        %dma_start3A_116 = arith.constant 0 : i32
        %dma_start3A_117 = arith.constant 0 : i32
        %dma_start3A_118 = tpu.memref_slice %arg5[%dma_start3A_116, %dma_start3A_117] : memref<40x128xi32, #tpu.memory_space<vmem>> -> memref<40x128xi32, #tpu.memory_space<vmem>>
        %dma_start3A_119 = arith.constant 0 : i32
        %dma_start3A_120 = tpu.memref_slice %arg3[%run_scoped3A, %mul3A_28, %dma_start3A_119] : memref<2x2504x128xi32, #tpu.memory_space<hbm>> -> memref<1x40x128xi32, #tpu.memory_space<hbm>>
        %dma_start3A_121 = tpu.memref_squeeze %dma_start3A_120 : memref<1x40x128xi32, #tpu.memory_space<hbm>> -> memref<40x128xi32, #tpu.memory_space<hbm>>
        %dma_start3A_122 = arith.constant 0 : i32
        %dma_start3A_123 = arith.constant 0 : i32
        %dma_start3A_124 = tpu.memref_slice %arg5[%dma_start3A_122, %dma_start3A_123] : memref<40x128xi32, #tpu.memory_space<vmem>> -> memref<40x128xi32, #tpu.memory_space<vmem>>
        %dma_start3A_125 = arith.constant 0 : i32
        %dma_start3A_126 = tpu.memref_slice %arg3[%run_scoped3A, %mul3A_28, %dma_start3A_125] : memref<2x2504x128xi32, #tpu.memory_space<hbm>> -> memref<1x40x128xi32, #tpu.memory_space<hbm>>
        %dma_start3A_127 = tpu.memref_squeeze %dma_start3A_126 : memref<1x40x128xi32, #tpu.memory_space<hbm>> -> memref<40x128xi32, #tpu.memory_space<hbm>>
        tpu.enqueue_dma source(%dma_start3A_127 : memref<40x128xi32, #tpu.memory_space<hbm>>) target(%dma_start3A_124 : memref<40x128xi32, #tpu.memory_space<vmem>>) target_semaphore(%run_scoped3A_115 : memref<!tpu.dma_semaphore, #tpu.memory_space<semaphore_mem>>)
        %dma_wait3A_128 = arith.constant 0 : i32
        %dma_wait3A_129 = arith.constant 0 : i32
        %dma_wait3A_130 = tpu.memref_slice %arg5[%dma_wait3A_128, %dma_wait3A_129] : memref<40x128xi32, #tpu.memory_space<vmem>> -> memref<40x128xi32, #tpu.memory_space<vmem>>
        %dma_wait3A_131 = arith.constant 0 : i32
        %dma_wait3A_132 = tpu.memref_slice %arg3[%run_scoped3A, %mul3A_28, %dma_wait3A_131] : memref<2x2504x128xi32, #tpu.memory_space<hbm>> -> memref<1x40x128xi32, #tpu.memory_space<hbm>>
        %dma_wait3A_133 = tpu.memref_squeeze %dma_wait3A_132 : memref<1x40x128xi32, #tpu.memory_space<hbm>> -> memref<40x128xi32, #tpu.memory_space<hbm>>
        %dma_wait3A_134 = arith.constant 0 : i32
        %dma_wait3A_135 = arith.constant 0 : i32
        %dma_wait3A_136 = tpu.memref_slice %arg5[%dma_wait3A_134, %dma_wait3A_135] : memref<40x128xi32, #tpu.memory_space<vmem>> -> memref<40x128xi32, #tpu.memory_space<vmem>>
        %dma_wait3A_137 = arith.constant 0 : i32
        %dma_wait3A_138 = tpu.memref_slice %arg3[%run_scoped3A, %mul3A_28, %dma_wait3A_137] : memref<2x2504x128xi32, #tpu.memory_space<hbm>> -> memref<1x40x128xi32, #tpu.memory_space<hbm>>
        %dma_wait3A_139 = tpu.memref_squeeze %dma_wait3A_138 : memref<1x40x128xi32, #tpu.memory_space<hbm>> -> memref<40x128xi32, #tpu.memory_space<hbm>>
        tpu.wait_dma2 semaphore(%run_scoped3A_115 : memref<!tpu.dma_semaphore, #tpu.memory_space<semaphore_mem>>) src(%dma_wait3A_139 : memref<40x128xi32, #tpu.memory_space<hbm>>) dst(%dma_wait3A_136 : memref<40x128xi32, #tpu.memory_space<vmem>>)
        tpu.yield
      }) : () -> ()
      %dma_start3A = arith.constant 0 : i32
      %dma_start3A_40 = arith.constant 0 : i32
      %dma_start3A_41 = tpu.memref_slice %arg5[%dma_start3A, %dma_start3A_40] : memref<40x128xi32, #tpu.memory_space<vmem>> -> memref<1x128xi32, #tpu.memory_space<vmem>>
      %dma_start3A_42 = tpu.memref_squeeze %dma_start3A_41 : memref<1x128xi32, #tpu.memory_space<vmem>> -> memref<128xi32, #tpu.memory_space<vmem>>
      %dma_start3A_43 = arith.constant 0 : i32
      %dma_start3A_44 = arith.constant 0 : i32
      %dma_start3A_45 = tpu.memref_slice %arg2[%dma_start3A_43, %dma_start3A_44] : memref<10000x128xf32, #tpu.memory_space<hbm>> -> memref<10000x128xf32, #tpu.memory_space<hbm>>
      tpu.enqueue_indirect_dma source(%dma_start3A_45 : memref<10000x128xf32, #tpu.memory_space<hbm>>) target(%arg7 : memref<128x128xf32, #tpu.memory_space<vmem>>) offsets(%dma_start3A_42 : memref<128xi32, #tpu.memory_space<vmem>>) semaphore(%arg10 : memref<!tpu.dma_semaphore, #tpu.memory_space<semaphore_mem>>)
      %run_scoped3A_46 = arith.constant 1 : i32
      "tpu.region"() ({
        %run_scoped3A_115 = tpu.sem_alloc : memref<!tpu.dma_semaphore, #tpu.memory_space<semaphore_mem>>
        %dma_start3A_116 = arith.constant 0 : i32
        %dma_start3A_117 = arith.constant 0 : i32
        %dma_start3A_118 = tpu.memref_slice %arg6[%dma_start3A_116, %dma_start3A_117] : memref<40x128xi32, #tpu.memory_space<vmem>> -> memref<40x128xi32, #tpu.memory_space<vmem>>
        %dma_start3A_119 = arith.constant 0 : i32
        %dma_start3A_120 = tpu.memref_slice %arg3[%run_scoped3A_46, %mul3A_28, %dma_start3A_119] : memref<2x2504x128xi32, #tpu.memory_space<hbm>> -> memref<1x40x128xi32, #tpu.memory_space<hbm>>
        %dma_start3A_121 = tpu.memref_squeeze %dma_start3A_120 : memref<1x40x128xi32, #tpu.memory_space<hbm>> -> memref<40x128xi32, #tpu.memory_space<hbm>>
        %dma_start3A_122 = arith.constant 0 : i32
        %dma_start3A_123 = arith.constant 0 : i32
        %dma_start3A_124 = tpu.memref_slice %arg6[%dma_start3A_122, %dma_start3A_123] : memref<40x128xi32, #tpu.memory_space<vmem>> -> memref<40x128xi32, #tpu.memory_space<vmem>>
        %dma_start3A_125 = arith.constant 0 : i32
        %dma_start3A_126 = tpu.memref_slice %arg3[%run_scoped3A_46, %mul3A_28, %dma_start3A_125] : memref<2x2504x128xi32, #tpu.memory_space<hbm>> -> memref<1x40x128xi32, #tpu.memory_space<hbm>>
        %dma_start3A_127 = tpu.memref_squeeze %dma_start3A_126 : memref<1x40x128xi32, #tpu.memory_space<hbm>> -> memref<40x128xi32, #tpu.memory_space<hbm>>
        tpu.enqueue_dma source(%dma_start3A_127 : memref<40x128xi32, #tpu.memory_space<hbm>>) target(%dma_start3A_124 : memref<40x128xi32, #tpu.memory_space<vmem>>) target_semaphore(%run_scoped3A_115 : memref<!tpu.dma_semaphore, #tpu.memory_space<semaphore_mem>>)
        %dma_wait3A_128 = arith.constant 0 : i32
        %dma_wait3A_129 = arith.constant 0 : i32
        %dma_wait3A_130 = tpu.memref_slice %arg6[%dma_wait3A_128, %dma_wait3A_129] : memref<40x128xi32, #tpu.memory_space<vmem>> -> memref<40x128xi32, #tpu.memory_space<vmem>>
        %dma_wait3A_131 = arith.constant 0 : i32
        %dma_wait3A_132 = tpu.memref_slice %arg3[%run_scoped3A_46, %mul3A_28, %dma_wait3A_131] : memref<2x2504x128xi32, #tpu.memory_space<hbm>> -> memref<1x40x128xi32, #tpu.memory_space<hbm>>
        %dma_wait3A_133 = tpu.memref_squeeze %dma_wait3A_132 : memref<1x40x128xi32, #tpu.memory_space<hbm>> -> memref<40x128xi32, #tpu.memory_space<hbm>>
        %dma_wait3A_134 = arith.constant 0 : i32
        %dma_wait3A_135 = arith.constant 0 : i32
        %dma_wait3A_136 = tpu.memref_slice %arg6[%dma_wait3A_134, %dma_wait3A_135] : memref<40x128xi32, #tpu.memory_space<vmem>> -> memref<40x128xi32, #tpu.memory_space<vmem>>
        %dma_wait3A_137 = arith.constant 0 : i32
        %dma_wait3A_138 = tpu.memref_slice %arg3[%run_scoped3A_46, %mul3A_28, %dma_wait3A_137] : memref<2x2504x128xi32, #tpu.memory_space<hbm>> -> memref<1x40x128xi32, #tpu.memory_space<hbm>>
        %dma_wait3A_139 = tpu.memref_squeeze %dma_wait3A_138 : memref<1x40x128xi32, #tpu.memory_space<hbm>> -> memref<40x128xi32, #tpu.memory_space<hbm>>
        tpu.wait_dma2 semaphore(%run_scoped3A_115 : memref<!tpu.dma_semaphore, #tpu.memory_space<semaphore_mem>>) src(%dma_wait3A_139 : memref<40x128xi32, #tpu.memory_space<hbm>>) dst(%dma_wait3A_136 : memref<40x128xi32, #tpu.memory_space<vmem>>)
        tpu.yield
      }) : () -> ()
      %scan3A_47 = arith.constant 0 : i32
      %scan3A_48 = arith.constant 0 : i32
      %scan3A_49 = arith.constant 19 : i32
      %scan3A_50 = arith.addi %scan3A_48, %scan3A_49 : i32
      %scan3A_51 = arith.constant 1 : i32
      scf.for %scan3A_115 = %scan3A_48 to %scan3A_50 step %scan3A_51  : i32 {
        %mul3A_116 = arith.constant 2 : i32
        %mul3A_117 = arith.muli %mul3A_116, %scan3A_115 : i32
        %add3A_118 = arith.constant 1 : i32
        %add3A_119 = arith.addi %mul3A_117, %add3A_118 : i32
        %dma_start3A_120 = arith.constant 0 : i32
        %dma_start3A_121 = tpu.memref_slice %arg5[%add3A_119, %dma_start3A_120] : memref<40x128xi32, #tpu.memory_space<vmem>> -> memref<1x128xi32, #tpu.memory_space<vmem>>
        %dma_start3A_122 = tpu.memref_squeeze %dma_start3A_121 : memref<1x128xi32, #tpu.memory_space<vmem>> -> memref<128xi32, #tpu.memory_space<vmem>>
        %dma_start3A_123 = arith.constant 0 : i32
        %dma_start3A_124 = arith.constant 0 : i32
        %dma_start3A_125 = tpu.memref_slice %arg2[%dma_start3A_123, %dma_start3A_124] : memref<10000x128xf32, #tpu.memory_space<hbm>> -> memref<10000x128xf32, #tpu.memory_space<hbm>>
        tpu.enqueue_indirect_dma source(%dma_start3A_125 : memref<10000x128xf32, #tpu.memory_space<hbm>>) target(%arg8 : memref<128x128xf32, #tpu.memory_space<vmem>>) offsets(%dma_start3A_122 : memref<128xi32, #tpu.memory_space<vmem>>) semaphore(%arg11 : memref<!tpu.dma_semaphore, #tpu.memory_space<semaphore_mem>>)
        %dma_wait3A_126 = arith.constant 0 : i32
        %dma_wait3A_127 = tpu.memref_slice %arg5[%mul3A_117, %dma_wait3A_126] : memref<40x128xi32, #tpu.memory_space<vmem>> -> memref<1x128xi32, #tpu.memory_space<vmem>>
        %dma_wait3A_128 = tpu.memref_squeeze %dma_wait3A_127 : memref<1x128xi32, #tpu.memory_space<vmem>> -> memref<128xi32, #tpu.memory_space<vmem>>
        %dma_wait3A_129 = arith.constant 0 : i32
        %dma_wait3A_130 = arith.constant 0 : i32
        %dma_wait3A_131 = tpu.memref_slice %arg2[%dma_wait3A_129, %dma_wait3A_130] : memref<10000x128xf32, #tpu.memory_space<hbm>> -> memref<10000x128xf32, #tpu.memory_space<hbm>>
        tpu.wait_indirect_dma semaphore(%arg10 : memref<!tpu.dma_semaphore, #tpu.memory_space<semaphore_mem>>) src(%dma_wait3A_131 : memref<10000x128xf32, #tpu.memory_space<hbm>>) dst(%arg7 : memref<128x128xf32, #tpu.memory_space<vmem>>)
        "tpu.region"() ({
          %run_scoped3A_146 = tpu.sem_alloc : memref<!tpu.dma_semaphore, #tpu.memory_space<semaphore_mem>>
          %dma_start3A_147 = arith.constant 0 : i32
          %dma_start3A_148 = tpu.memref_slice %arg6[%mul3A_117, %dma_start3A_147] : memref<40x128xi32, #tpu.memory_space<vmem>> -> memref<1x128xi32, #tpu.memory_space<vmem>>
          %dma_start3A_149 = tpu.memref_squeeze %dma_start3A_148 : memref<1x128xi32, #tpu.memory_space<vmem>> -> memref<128xi32, #tpu.memory_space<vmem>>
          %dma_start3A_150 = arith.constant 0 : i32
          %dma_start3A_151 = arith.constant 0 : i32
          %dma_start3A_152 = tpu.memref_slice %arg9[%dma_start3A_150, %dma_start3A_151] : memref<10240x128xf32, #tpu.memory_space<vmem_shared>> -> memref<10240x128xf32, #tpu.memory_space<vmem_shared>>
          tpu.enqueue_indirect_dma source(%arg7 : memref<128x128xf32, #tpu.memory_space<vmem>>) target(%dma_start3A_152 : memref<10240x128xf32, #tpu.memory_space<vmem_shared>>) offsets(%dma_start3A_149 : memref<128xi32, #tpu.memory_space<vmem>>) semaphore(%run_scoped3A_146 : memref<!tpu.dma_semaphore, #tpu.memory_space<semaphore_mem>>) {add = true}
          %dma_wait3A_153 = arith.constant 0 : i32
          %dma_wait3A_154 = tpu.memref_slice %arg6[%mul3A_117, %dma_wait3A_153] : memref<40x128xi32, #tpu.memory_space<vmem>> -> memref<1x128xi32, #tpu.memory_space<vmem>>
          %dma_wait3A_155 = tpu.memref_squeeze %dma_wait3A_154 : memref<1x128xi32, #tpu.memory_space<vmem>> -> memref<128xi32, #tpu.memory_space<vmem>>
          %dma_wait3A_156 = arith.constant 0 : i32
          %dma_wait3A_157 = arith.constant 0 : i32
          %dma_wait3A_158 = tpu.memref_slice %arg9[%dma_wait3A_156, %dma_wait3A_157] : memref<10240x128xf32, #tpu.memory_space<vmem_shared>> -> memref<10240x128xf32, #tpu.memory_space<vmem_shared>>
          tpu.wait_indirect_dma semaphore(%run_scoped3A_146 : memref<!tpu.dma_semaphore, #tpu.memory_space<semaphore_mem>>) src(%arg7 : memref<128x128xf32, #tpu.memory_space<vmem>>) dst(%dma_wait3A_158 : memref<10240x128xf32, #tpu.memory_space<vmem_shared>>)
          tpu.yield
        }) : () -> ()
        %add3A_132 = arith.constant 2 : i32
        %add3A_133 = arith.addi %mul3A_117, %add3A_132 : i32
        %dma_start3A_134 = arith.constant 0 : i32
        %dma_start3A_135 = tpu.memref_slice %arg5[%add3A_133, %dma_start3A_134] : memref<40x128xi32, #tpu.memory_space<vmem>> -> memref<1x128xi32, #tpu.memory_space<vmem>>
        %dma_start3A_136 = tpu.memref_squeeze %dma_start3A_135 : memref<1x128xi32, #tpu.memory_space<vmem>> -> memref<128xi32, #tpu.memory_space<vmem>>
        %dma_start3A_137 = arith.constant 0 : i32
        %dma_start3A_138 = arith.constant 0 : i32
        %dma_start3A_139 = tpu.memref_slice %arg2[%dma_start3A_137, %dma_start3A_138] : memref<10000x128xf32, #tpu.memory_space<hbm>> -> memref<10000x128xf32, #tpu.memory_space<hbm>>
        tpu.enqueue_indirect_dma source(%dma_start3A_139 : memref<10000x128xf32, #tpu.memory_space<hbm>>) target(%arg7 : memref<128x128xf32, #tpu.memory_space<vmem>>) offsets(%dma_start3A_136 : memref<128xi32, #tpu.memory_space<vmem>>) semaphore(%arg10 : memref<!tpu.dma_semaphore, #tpu.memory_space<semaphore_mem>>)
        %dma_wait3A_140 = arith.constant 0 : i32
        %dma_wait3A_141 = tpu.memref_slice %arg5[%add3A_119, %dma_wait3A_140] : memref<40x128xi32, #tpu.memory_space<vmem>> -> memref<1x128xi32, #tpu.memory_space<vmem>>
        %dma_wait3A_142 = tpu.memref_squeeze %dma_wait3A_141 : memref<1x128xi32, #tpu.memory_space<vmem>> -> memref<128xi32, #tpu.memory_space<vmem>>
        %dma_wait3A_143 = arith.constant 0 : i32
        %dma_wait3A_144 = arith.constant 0 : i32
        %dma_wait3A_145 = tpu.memref_slice %arg2[%dma_wait3A_143, %dma_wait3A_144] : memref<10000x128xf32, #tpu.memory_space<hbm>> -> memref<10000x128xf32, #tpu.memory_space<hbm>>
        tpu.wait_indirect_dma semaphore(%arg11 : memref<!tpu.dma_semaphore, #tpu.memory_space<semaphore_mem>>) src(%dma_wait3A_145 : memref<10000x128xf32, #tpu.memory_space<hbm>>) dst(%arg8 : memref<128x128xf32, #tpu.memory_space<vmem>>)
        "tpu.region"() ({
          %run_scoped3A_146 = tpu.sem_alloc : memref<!tpu.dma_semaphore, #tpu.memory_space<semaphore_mem>>
          %dma_start3A_147 = arith.constant 0 : i32
          %dma_start3A_148 = tpu.memref_slice %arg6[%add3A_119, %dma_start3A_147] : memref<40x128xi32, #tpu.memory_space<vmem>> -> memref<1x128xi32, #tpu.memory_space<vmem>>
          %dma_start3A_149 = tpu.memref_squeeze %dma_start3A_148 : memref<1x128xi32, #tpu.memory_space<vmem>> -> memref<128xi32, #tpu.memory_space<vmem>>
          %dma_start3A_150 = arith.constant 0 : i32
          %dma_start3A_151 = arith.constant 0 : i32
          %dma_start3A_152 = tpu.memref_slice %arg9[%dma_start3A_150, %dma_start3A_151] : memref<10240x128xf32, #tpu.memory_space<vmem_shared>> -> memref<10240x128xf32, #tpu.memory_space<vmem_shared>>
          tpu.enqueue_indirect_dma source(%arg8 : memref<128x128xf32, #tpu.memory_space<vmem>>) target(%dma_start3A_152 : memref<10240x128xf32, #tpu.memory_space<vmem_shared>>) offsets(%dma_start3A_149 : memref<128xi32, #tpu.memory_space<vmem>>) semaphore(%run_scoped3A_146 : memref<!tpu.dma_semaphore, #tpu.memory_space<semaphore_mem>>) {add = true}
          %dma_wait3A_153 = arith.constant 0 : i32
          %dma_wait3A_154 = tpu.memref_slice %arg6[%add3A_119, %dma_wait3A_153] : memref<40x128xi32, #tpu.memory_space<vmem>> -> memref<1x128xi32, #tpu.memory_space<vmem>>
          %dma_wait3A_155 = tpu.memref_squeeze %dma_wait3A_154 : memref<1x128xi32, #tpu.memory_space<vmem>> -> memref<128xi32, #tpu.memory_space<vmem>>
          %dma_wait3A_156 = arith.constant 0 : i32
          %dma_wait3A_157 = arith.constant 0 : i32
          %dma_wait3A_158 = tpu.memref_slice %arg9[%dma_wait3A_156, %dma_wait3A_157] : memref<10240x128xf32, #tpu.memory_space<vmem_shared>> -> memref<10240x128xf32, #tpu.memory_space<vmem_shared>>
          tpu.wait_indirect_dma semaphore(%run_scoped3A_146 : memref<!tpu.dma_semaphore, #tpu.memory_space<semaphore_mem>>) src(%arg8 : memref<128x128xf32, #tpu.memory_space<vmem>>) dst(%dma_wait3A_158 : memref<10240x128xf32, #tpu.memory_space<vmem_shared>>)
          tpu.yield
        }) : () -> ()
      }
      %scan3A_52 = arith.constant 19 : i32
      %dma_start3A_53 = arith.constant 39 : i32
      %dma_start3A_54 = arith.constant 0 : i32
      %dma_start3A_55 = tpu.memref_slice %arg5[%dma_start3A_53, %dma_start3A_54] : memref<40x128xi32, #tpu.memory_space<vmem>> -> memref<1x128xi32, #tpu.memory_space<vmem>>
      %dma_start3A_56 = tpu.memref_squeeze %dma_start3A_55 : memref<1x128xi32, #tpu.memory_space<vmem>> -> memref<128xi32, #tpu.memory_space<vmem>>
      %dma_start3A_57 = arith.constant 0 : i32
      %dma_start3A_58 = arith.constant 0 : i32
      %dma_start3A_59 = tpu.memref_slice %arg2[%dma_start3A_57, %dma_start3A_58] : memref<10000x128xf32, #tpu.memory_space<hbm>> -> memref<10000x128xf32, #tpu.memory_space<hbm>>
      tpu.enqueue_indirect_dma source(%dma_start3A_59 : memref<10000x128xf32, #tpu.memory_space<hbm>>) target(%arg8 : memref<128x128xf32, #tpu.memory_space<vmem>>) offsets(%dma_start3A_56 : memref<128xi32, #tpu.memory_space<vmem>>) semaphore(%arg11 : memref<!tpu.dma_semaphore, #tpu.memory_space<semaphore_mem>>)
      %dma_wait3A = arith.constant 38 : i32
      %dma_wait3A_60 = arith.constant 0 : i32
      %dma_wait3A_61 = tpu.memref_slice %arg5[%dma_wait3A, %dma_wait3A_60] : memref<40x128xi32, #tpu.memory_space<vmem>> -> memref<1x128xi32, #tpu.memory_space<vmem>>
      %dma_wait3A_62 = tpu.memref_squeeze %dma_wait3A_61 : memref<1x128xi32, #tpu.memory_space<vmem>> -> memref<128xi32, #tpu.memory_space<vmem>>
      %dma_wait3A_63 = arith.constant 0 : i32
      %dma_wait3A_64 = arith.constant 0 : i32
      %dma_wait3A_65 = tpu.memref_slice %arg2[%dma_wait3A_63, %dma_wait3A_64] : memref<10000x128xf32, #tpu.memory_space<hbm>> -> memref<10000x128xf32, #tpu.memory_space<hbm>>
      tpu.wait_indirect_dma semaphore(%arg10 : memref<!tpu.dma_semaphore, #tpu.memory_space<semaphore_mem>>) src(%dma_wait3A_65 : memref<10000x128xf32, #tpu.memory_space<hbm>>) dst(%arg7 : memref<128x128xf32, #tpu.memory_space<vmem>>)
      %run_scoped3A_66 = arith.constant 38 : i32
      "tpu.region"() ({
        %run_scoped3A_115 = tpu.sem_alloc : memref<!tpu.dma_semaphore, #tpu.memory_space<semaphore_mem>>
        %dma_start3A_116 = arith.constant 0 : i32
        %dma_start3A_117 = tpu.memref_slice %arg6[%run_scoped3A_66, %dma_start3A_116] : memref<40x128xi32, #tpu.memory_space<vmem>> -> memref<1x128xi32, #tpu.memory_space<vmem>>
        %dma_start3A_118 = tpu.memref_squeeze %dma_start3A_117 : memref<1x128xi32, #tpu.memory_space<vmem>> -> memref<128xi32, #tpu.memory_space<vmem>>
        %dma_start3A_119 = arith.constant 0 : i32
        %dma_start3A_120 = arith.constant 0 : i32
        %dma_start3A_121 = tpu.memref_slice %arg9[%dma_start3A_119, %dma_start3A_120] : memref<10240x128xf32, #tpu.memory_space<vmem_shared>> -> memref<10240x128xf32, #tpu.memory_space<vmem_shared>>
        tpu.enqueue_indirect_dma source(%arg7 : memref<128x128xf32, #tpu.memory_space<vmem>>) target(%dma_start3A_121 : memref<10240x128xf32, #tpu.memory_space<vmem_shared>>) offsets(%dma_start3A_118 : memref<128xi32, #tpu.memory_space<vmem>>) semaphore(%run_scoped3A_115 : memref<!tpu.dma_semaphore, #tpu.memory_space<semaphore_mem>>) {add = true}
        %dma_wait3A_122 = arith.constant 0 : i32
        %dma_wait3A_123 = tpu.memref_slice %arg6[%run_scoped3A_66, %dma_wait3A_122] : memref<40x128xi32, #tpu.memory_space<vmem>> -> memref<1x128xi32, #tpu.memory_space<vmem>>
        %dma_wait3A_124 = tpu.memref_squeeze %dma_wait3A_123 : memref<1x128xi32, #tpu.memory_space<vmem>> -> memref<128xi32, #tpu.memory_space<vmem>>
        %dma_wait3A_125 = arith.constant 0 : i32
        %dma_wait3A_126 = arith.constant 0 : i32
        %dma_wait3A_127 = tpu.memref_slice %arg9[%dma_wait3A_125, %dma_wait3A_126] : memref<10240x128xf32, #tpu.memory_space<vmem_shared>> -> memref<10240x128xf32, #tpu.memory_space<vmem_shared>>
        tpu.wait_indirect_dma semaphore(%run_scoped3A_115 : memref<!tpu.dma_semaphore, #tpu.memory_space<semaphore_mem>>) src(%arg7 : memref<128x128xf32, #tpu.memory_space<vmem>>) dst(%dma_wait3A_127 : memref<10240x128xf32, #tpu.memory_space<vmem_shared>>)
        tpu.yield
      }) : () -> ()
      %dma_wait3A_67 = arith.constant 39 : i32
      %dma_wait3A_68 = arith.constant 0 : i32
      %dma_wait3A_69 = tpu.memref_slice %arg5[%dma_wait3A_67, %dma_wait3A_68] : memref<40x128xi32, #tpu.memory_space<vmem>> -> memref<1x128xi32, #tpu.memory_space<vmem>>
      %dma_wait3A_70 = tpu.memref_squeeze %dma_wait3A_69 : memref<1x128xi32, #tpu.memory_space<vmem>> -> memref<128xi32, #tpu.memory_space<vmem>>
      %dma_wait3A_71 = arith.constant 0 : i32
      %dma_wait3A_72 = arith.constant 0 : i32
      %dma_wait3A_73 = tpu.memref_slice %arg2[%dma_wait3A_71, %dma_wait3A_72] : memref<10000x128xf32, #tpu.memory_space<hbm>> -> memref<10000x128xf32, #tpu.memory_space<hbm>>
      tpu.wait_indirect_dma semaphore(%arg11 : memref<!tpu.dma_semaphore, #tpu.memory_space<semaphore_mem>>) src(%dma_wait3A_73 : memref<10000x128xf32, #tpu.memory_space<hbm>>) dst(%arg8 : memref<128x128xf32, #tpu.memory_space<vmem>>)
      %run_scoped3A_74 = arith.constant 39 : i32
      "tpu.region"() ({
        %run_scoped3A_115 = tpu.sem_alloc : memref<!tpu.dma_semaphore, #tpu.memory_space<semaphore_mem>>
        %dma_start3A_116 = arith.constant 0 : i32
        %dma_start3A_117 = tpu.memref_slice %arg6[%run_scoped3A_74, %dma_start3A_116] : memref<40x128xi32, #tpu.memory_space<vmem>> -> memref<1x128xi32, #tpu.memory_space<vmem>>
        %dma_start3A_118 = tpu.memref_squeeze %dma_start3A_117 : memref<1x128xi32, #tpu.memory_space<vmem>> -> memref<128xi32, #tpu.memory_space<vmem>>
        %dma_start3A_119 = arith.constant 0 : i32
        %dma_start3A_120 = arith.constant 0 : i32
        %dma_start3A_121 = tpu.memref_slice %arg9[%dma_start3A_119, %dma_start3A_120] : memref<10240x128xf32, #tpu.memory_space<vmem_shared>> -> memref<10240x128xf32, #tpu.memory_space<vmem_shared>>
        tpu.enqueue_indirect_dma source(%arg8 : memref<128x128xf32, #tpu.memory_space<vmem>>) target(%dma_start3A_121 : memref<10240x128xf32, #tpu.memory_space<vmem_shared>>) offsets(%dma_start3A_118 : memref<128xi32, #tpu.memory_space<vmem>>) semaphore(%run_scoped3A_115 : memref<!tpu.dma_semaphore, #tpu.memory_space<semaphore_mem>>) {add = true}
        %dma_wait3A_122 = arith.constant 0 : i32
        %dma_wait3A_123 = tpu.memref_slice %arg6[%run_scoped3A_74, %dma_wait3A_122] : memref<40x128xi32, #tpu.memory_space<vmem>> -> memref<1x128xi32, #tpu.memory_space<vmem>>
        %dma_wait3A_124 = tpu.memref_squeeze %dma_wait3A_123 : memref<1x128xi32, #tpu.memory_space<vmem>> -> memref<128xi32, #tpu.memory_space<vmem>>
        %dma_wait3A_125 = arith.constant 0 : i32
        %dma_wait3A_126 = arith.constant 0 : i32
        %dma_wait3A_127 = tpu.memref_slice %arg9[%dma_wait3A_125, %dma_wait3A_126] : memref<10240x128xf32, #tpu.memory_space<vmem_shared>> -> memref<10240x128xf32, #tpu.memory_space<vmem_shared>>
        tpu.wait_indirect_dma semaphore(%run_scoped3A_115 : memref<!tpu.dma_semaphore, #tpu.memory_space<semaphore_mem>>) src(%arg8 : memref<128x128xf32, #tpu.memory_space<vmem>>) dst(%dma_wait3A_127 : memref<10240x128xf32, #tpu.memory_space<vmem_shared>>)
        tpu.yield
      }) : () -> ()
      %add3A_75 = arith.constant 40 : i32
      %add3A_76 = arith.addi %mul3A_28, %add3A_75 : i32
      %run_scoped3A_77 = arith.constant 0 : i32
      "tpu.region"() ({
        %run_scoped3A_115 = tpu.sem_alloc : memref<!tpu.dma_semaphore, #tpu.memory_space<semaphore_mem>>
        %dma_start3A_116 = arith.constant 0 : i32
        %dma_start3A_117 = arith.constant 0 : i32
        %dma_start3A_118 = tpu.memref_slice %arg5[%dma_start3A_116, %dma_start3A_117] : memref<40x128xi32, #tpu.memory_space<vmem>> -> memref<40x128xi32, #tpu.memory_space<vmem>>
        %dma_start3A_119 = arith.constant 0 : i32
        %dma_start3A_120 = tpu.memref_slice %arg3[%run_scoped3A_77, %add3A_76, %dma_start3A_119] : memref<2x2504x128xi32, #tpu.memory_space<hbm>> -> memref<1x40x128xi32, #tpu.memory_space<hbm>>
        %dma_start3A_121 = tpu.memref_squeeze %dma_start3A_120 : memref<1x40x128xi32, #tpu.memory_space<hbm>> -> memref<40x128xi32, #tpu.memory_space<hbm>>
        %dma_start3A_122 = arith.constant 0 : i32
        %dma_start3A_123 = arith.constant 0 : i32
        %dma_start3A_124 = tpu.memref_slice %arg5[%dma_start3A_122, %dma_start3A_123] : memref<40x128xi32, #tpu.memory_space<vmem>> -> memref<40x128xi32, #tpu.memory_space<vmem>>
        %dma_start3A_125 = arith.constant 0 : i32
        %dma_start3A_126 = tpu.memref_slice %arg3[%run_scoped3A_77, %add3A_76, %dma_start3A_125] : memref<2x2504x128xi32, #tpu.memory_space<hbm>> -> memref<1x40x128xi32, #tpu.memory_space<hbm>>
        %dma_start3A_127 = tpu.memref_squeeze %dma_start3A_126 : memref<1x40x128xi32, #tpu.memory_space<hbm>> -> memref<40x128xi32, #tpu.memory_space<hbm>>
        tpu.enqueue_dma source(%dma_start3A_127 : memref<40x128xi32, #tpu.memory_space<hbm>>) target(%dma_start3A_124 : memref<40x128xi32, #tpu.memory_space<vmem>>) target_semaphore(%run_scoped3A_115 : memref<!tpu.dma_semaphore, #tpu.memory_space<semaphore_mem>>)
        %dma_wait3A_128 = arith.constant 0 : i32
        %dma_wait3A_129 = arith.constant 0 : i32
        %dma_wait3A_130 = tpu.memref_slice %arg5[%dma_wait3A_128, %dma_wait3A_129] : memref<40x128xi32, #tpu.memory_space<vmem>> -> memref<40x128xi32, #tpu.memory_space<vmem>>
        %dma_wait3A_131 = arith.constant 0 : i32
        %dma_wait3A_132 = tpu.memref_slice %arg3[%run_scoped3A_77, %add3A_76, %dma_wait3A_131] : memref<2x2504x128xi32, #tpu.memory_space<hbm>> -> memref<1x40x128xi32, #tpu.memory_space<hbm>>
        %dma_wait3A_133 = tpu.memref_squeeze %dma_wait3A_132 : memref<1x40x128xi32, #tpu.memory_space<hbm>> -> memref<40x128xi32, #tpu.memory_space<hbm>>
        %dma_wait3A_134 = arith.constant 0 : i32
        %dma_wait3A_135 = arith.constant 0 : i32
        %dma_wait3A_136 = tpu.memref_slice %arg5[%dma_wait3A_134, %dma_wait3A_135] : memref<40x128xi32, #tpu.memory_space<vmem>> -> memref<40x128xi32, #tpu.memory_space<vmem>>
        %dma_wait3A_137 = arith.constant 0 : i32
        %dma_wait3A_138 = tpu.memref_slice %arg3[%run_scoped3A_77, %add3A_76, %dma_wait3A_137] : memref<2x2504x128xi32, #tpu.memory_space<hbm>> -> memref<1x40x128xi32, #tpu.memory_space<hbm>>
        %dma_wait3A_139 = tpu.memref_squeeze %dma_wait3A_138 : memref<1x40x128xi32, #tpu.memory_space<hbm>> -> memref<40x128xi32, #tpu.memory_space<hbm>>
        tpu.wait_dma2 semaphore(%run_scoped3A_115 : memref<!tpu.dma_semaphore, #tpu.memory_space<semaphore_mem>>) src(%dma_wait3A_139 : memref<40x128xi32, #tpu.memory_space<hbm>>) dst(%dma_wait3A_136 : memref<40x128xi32, #tpu.memory_space<vmem>>)
        tpu.yield
      }) : () -> ()
      %dma_start3A_78 = arith.constant 0 : i32
      %dma_start3A_79 = arith.constant 0 : i32
      %dma_start3A_80 = tpu.memref_slice %arg5[%dma_start3A_78, %dma_start3A_79] : memref<40x128xi32, #tpu.memory_space<vmem>> -> memref<1x128xi32, #tpu.memory_space<vmem>>
      %dma_start3A_81 = tpu.memref_squeeze %dma_start3A_80 : memref<1x128xi32, #tpu.memory_space<vmem>> -> memref<128xi32, #tpu.memory_space<vmem>>
      %dma_start3A_82 = arith.constant 0 : i32
      %dma_start3A_83 = arith.constant 0 : i32
      %dma_start3A_84 = tpu.memref_slice %arg2[%dma_start3A_82, %dma_start3A_83] : memref<10000x128xf32, #tpu.memory_space<hbm>> -> memref<10000x128xf32, #tpu.memory_space<hbm>>
      tpu.enqueue_indirect_dma source(%dma_start3A_84 : memref<10000x128xf32, #tpu.memory_space<hbm>>) target(%arg7 : memref<128x128xf32, #tpu.memory_space<vmem>>) offsets(%dma_start3A_81 : memref<128xi32, #tpu.memory_space<vmem>>) semaphore(%arg10 : memref<!tpu.dma_semaphore, #tpu.memory_space<semaphore_mem>>)
      %run_scoped3A_85 = arith.constant 1 : i32
      "tpu.region"() ({
        %run_scoped3A_115 = tpu.sem_alloc : memref<!tpu.dma_semaphore, #tpu.memory_space<semaphore_mem>>
        %dma_start3A_116 = arith.constant 0 : i32
        %dma_start3A_117 = arith.constant 0 : i32
        %dma_start3A_118 = tpu.memref_slice %arg6[%dma_start3A_116, %dma_start3A_117] : memref<40x128xi32, #tpu.memory_space<vmem>> -> memref<40x128xi32, #tpu.memory_space<vmem>>
        %dma_start3A_119 = arith.constant 0 : i32
        %dma_start3A_120 = tpu.memref_slice %arg3[%run_scoped3A_85, %add3A_76, %dma_start3A_119] : memref<2x2504x128xi32, #tpu.memory_space<hbm>> -> memref<1x40x128xi32, #tpu.memory_space<hbm>>
        %dma_start3A_121 = tpu.memref_squeeze %dma_start3A_120 : memref<1x40x128xi32, #tpu.memory_space<hbm>> -> memref<40x128xi32, #tpu.memory_space<hbm>>
        %dma_start3A_122 = arith.constant 0 : i32
        %dma_start3A_123 = arith.constant 0 : i32
        %dma_start3A_124 = tpu.memref_slice %arg6[%dma_start3A_122, %dma_start3A_123] : memref<40x128xi32, #tpu.memory_space<vmem>> -> memref<40x128xi32, #tpu.memory_space<vmem>>
        %dma_start3A_125 = arith.constant 0 : i32
        %dma_start3A_126 = tpu.memref_slice %arg3[%run_scoped3A_85, %add3A_76, %dma_start3A_125] : memref<2x2504x128xi32, #tpu.memory_space<hbm>> -> memref<1x40x128xi32, #tpu.memory_space<hbm>>
        %dma_start3A_127 = tpu.memref_squeeze %dma_start3A_126 : memref<1x40x128xi32, #tpu.memory_space<hbm>> -> memref<40x128xi32, #tpu.memory_space<hbm>>
        tpu.enqueue_dma source(%dma_start3A_127 : memref<40x128xi32, #tpu.memory_space<hbm>>) target(%dma_start3A_124 : memref<40x128xi32, #tpu.memory_space<vmem>>) target_semaphore(%run_scoped3A_115 : memref<!tpu.dma_semaphore, #tpu.memory_space<semaphore_mem>>)
        %dma_wait3A_128 = arith.constant 0 : i32
        %dma_wait3A_129 = arith.constant 0 : i32
        %dma_wait3A_130 = tpu.memref_slice %arg6[%dma_wait3A_128, %dma_wait3A_129] : memref<40x128xi32, #tpu.memory_space<vmem>> -> memref<40x128xi32, #tpu.memory_space<vmem>>
        %dma_wait3A_131 = arith.constant 0 : i32
        %dma_wait3A_132 = tpu.memref_slice %arg3[%run_scoped3A_85, %add3A_76, %dma_wait3A_131] : memref<2x2504x128xi32, #tpu.memory_space<hbm>> -> memref<1x40x128xi32, #tpu.memory_space<hbm>>
        %dma_wait3A_133 = tpu.memref_squeeze %dma_wait3A_132 : memref<1x40x128xi32, #tpu.memory_space<hbm>> -> memref<40x128xi32, #tpu.memory_space<hbm>>
        %dma_wait3A_134 = arith.constant 0 : i32
        %dma_wait3A_135 = arith.constant 0 : i32
        %dma_wait3A_136 = tpu.memref_slice %arg6[%dma_wait3A_134, %dma_wait3A_135] : memref<40x128xi32, #tpu.memory_space<vmem>> -> memref<40x128xi32, #tpu.memory_space<vmem>>
        %dma_wait3A_137 = arith.constant 0 : i32
        %dma_wait3A_138 = tpu.memref_slice %arg3[%run_scoped3A_85, %add3A_76, %dma_wait3A_137] : memref<2x2504x128xi32, #tpu.memory_space<hbm>> -> memref<1x40x128xi32, #tpu.memory_space<hbm>>
        %dma_wait3A_139 = tpu.memref_squeeze %dma_wait3A_138 : memref<1x40x128xi32, #tpu.memory_space<hbm>> -> memref<40x128xi32, #tpu.memory_space<hbm>>
        tpu.wait_dma2 semaphore(%run_scoped3A_115 : memref<!tpu.dma_semaphore, #tpu.memory_space<semaphore_mem>>) src(%dma_wait3A_139 : memref<40x128xi32, #tpu.memory_space<hbm>>) dst(%dma_wait3A_136 : memref<40x128xi32, #tpu.memory_space<vmem>>)
        tpu.yield
      }) : () -> ()
      %scan3A_86 = arith.constant 0 : i32
      %scan3A_87 = arith.constant 0 : i32
      %scan3A_88 = arith.constant 19 : i32
      %scan3A_89 = arith.addi %scan3A_87, %scan3A_88 : i32
      %scan3A_90 = arith.constant 1 : i32
      scf.for %scan3A_115 = %scan3A_87 to %scan3A_89 step %scan3A_90  : i32 {
        %mul3A_116 = arith.constant 2 : i32
        %mul3A_117 = arith.muli %mul3A_116, %scan3A_115 : i32
        %add3A_118 = arith.constant 1 : i32
        %add3A_119 = arith.addi %mul3A_117, %add3A_118 : i32
        %dma_start3A_120 = arith.constant 0 : i32
        %dma_start3A_121 = tpu.memref_slice %arg5[%add3A_119, %dma_start3A_120] : memref<40x128xi32, #tpu.memory_space<vmem>> -> memref<1x128xi32, #tpu.memory_space<vmem>>
        %dma_start3A_122 = tpu.memref_squeeze %dma_start3A_121 : memref<1x128xi32, #tpu.memory_space<vmem>> -> memref<128xi32, #tpu.memory_space<vmem>>
        %dma_start3A_123 = arith.constant 0 : i32
        %dma_start3A_124 = arith.constant 0 : i32
        %dma_start3A_125 = tpu.memref_slice %arg2[%dma_start3A_123, %dma_start3A_124] : memref<10000x128xf32, #tpu.memory_space<hbm>> -> memref<10000x128xf32, #tpu.memory_space<hbm>>
        tpu.enqueue_indirect_dma source(%dma_start3A_125 : memref<10000x128xf32, #tpu.memory_space<hbm>>) target(%arg8 : memref<128x128xf32, #tpu.memory_space<vmem>>) offsets(%dma_start3A_122 : memref<128xi32, #tpu.memory_space<vmem>>) semaphore(%arg11 : memref<!tpu.dma_semaphore, #tpu.memory_space<semaphore_mem>>)
        %dma_wait3A_126 = arith.constant 0 : i32
        %dma_wait3A_127 = tpu.memref_slice %arg5[%mul3A_117, %dma_wait3A_126] : memref<40x128xi32, #tpu.memory_space<vmem>> -> memref<1x128xi32, #tpu.memory_space<vmem>>
        %dma_wait3A_128 = tpu.memref_squeeze %dma_wait3A_127 : memref<1x128xi32, #tpu.memory_space<vmem>> -> memref<128xi32, #tpu.memory_space<vmem>>
        %dma_wait3A_129 = arith.constant 0 : i32
        %dma_wait3A_130 = arith.constant 0 : i32
        %dma_wait3A_131 = tpu.memref_slice %arg2[%dma_wait3A_129, %dma_wait3A_130] : memref<10000x128xf32, #tpu.memory_space<hbm>> -> memref<10000x128xf32, #tpu.memory_space<hbm>>
        tpu.wait_indirect_dma semaphore(%arg10 : memref<!tpu.dma_semaphore, #tpu.memory_space<semaphore_mem>>) src(%dma_wait3A_131 : memref<10000x128xf32, #tpu.memory_space<hbm>>) dst(%arg7 : memref<128x128xf32, #tpu.memory_space<vmem>>)
        "tpu.region"() ({
          %run_scoped3A_146 = tpu.sem_alloc : memref<!tpu.dma_semaphore, #tpu.memory_space<semaphore_mem>>
          %dma_start3A_147 = arith.constant 0 : i32
          %dma_start3A_148 = tpu.memref_slice %arg6[%mul3A_117, %dma_start3A_147] : memref<40x128xi32, #tpu.memory_space<vmem>> -> memref<1x128xi32, #tpu.memory_space<vmem>>
          %dma_start3A_149 = tpu.memref_squeeze %dma_start3A_148 : memref<1x128xi32, #tpu.memory_space<vmem>> -> memref<128xi32, #tpu.memory_space<vmem>>
          %dma_start3A_150 = arith.constant 0 : i32
          %dma_start3A_151 = arith.constant 0 : i32
          %dma_start3A_152 = tpu.memref_slice %arg9[%dma_start3A_150, %dma_start3A_151] : memref<10240x128xf32, #tpu.memory_space<vmem_shared>> -> memref<10240x128xf32, #tpu.memory_space<vmem_shared>>
          tpu.enqueue_indirect_dma source(%arg7 : memref<128x128xf32, #tpu.memory_space<vmem>>) target(%dma_start3A_152 : memref<10240x128xf32, #tpu.memory_space<vmem_shared>>) offsets(%dma_start3A_149 : memref<128xi32, #tpu.memory_space<vmem>>) semaphore(%run_scoped3A_146 : memref<!tpu.dma_semaphore, #tpu.memory_space<semaphore_mem>>) {add = true}
          %dma_wait3A_153 = arith.constant 0 : i32
          %dma_wait3A_154 = tpu.memref_slice %arg6[%mul3A_117, %dma_wait3A_153] : memref<40x128xi32, #tpu.memory_space<vmem>> -> memref<1x128xi32, #tpu.memory_space<vmem>>
          %dma_wait3A_155 = tpu.memref_squeeze %dma_wait3A_154 : memref<1x128xi32, #tpu.memory_space<vmem>> -> memref<128xi32, #tpu.memory_space<vmem>>
          %dma_wait3A_156 = arith.constant 0 : i32
          %dma_wait3A_157 = arith.constant 0 : i32
          %dma_wait3A_158 = tpu.memref_slice %arg9[%dma_wait3A_156, %dma_wait3A_157] : memref<10240x128xf32, #tpu.memory_space<vmem_shared>> -> memref<10240x128xf32, #tpu.memory_space<vmem_shared>>
          tpu.wait_indirect_dma semaphore(%run_scoped3A_146 : memref<!tpu.dma_semaphore, #tpu.memory_space<semaphore_mem>>) src(%arg7 : memref<128x128xf32, #tpu.memory_space<vmem>>) dst(%dma_wait3A_158 : memref<10240x128xf32, #tpu.memory_space<vmem_shared>>)
          tpu.yield
        }) : () -> ()
        %add3A_132 = arith.constant 2 : i32
        %add3A_133 = arith.addi %mul3A_117, %add3A_132 : i32
        %dma_start3A_134 = arith.constant 0 : i32
        %dma_start3A_135 = tpu.memref_slice %arg5[%add3A_133, %dma_start3A_134] : memref<40x128xi32, #tpu.memory_space<vmem>> -> memref<1x128xi32, #tpu.memory_space<vmem>>
        %dma_start3A_136 = tpu.memref_squeeze %dma_start3A_135 : memref<1x128xi32, #tpu.memory_space<vmem>> -> memref<128xi32, #tpu.memory_space<vmem>>
        %dma_start3A_137 = arith.constant 0 : i32
        %dma_start3A_138 = arith.constant 0 : i32
        %dma_start3A_139 = tpu.memref_slice %arg2[%dma_start3A_137, %dma_start3A_138] : memref<10000x128xf32, #tpu.memory_space<hbm>> -> memref<10000x128xf32, #tpu.memory_space<hbm>>
        tpu.enqueue_indirect_dma source(%dma_start3A_139 : memref<10000x128xf32, #tpu.memory_space<hbm>>) target(%arg7 : memref<128x128xf32, #tpu.memory_space<vmem>>) offsets(%dma_start3A_136 : memref<128xi32, #tpu.memory_space<vmem>>) semaphore(%arg10 : memref<!tpu.dma_semaphore, #tpu.memory_space<semaphore_mem>>)
        %dma_wait3A_140 = arith.constant 0 : i32
        %dma_wait3A_141 = tpu.memref_slice %arg5[%add3A_119, %dma_wait3A_140] : memref<40x128xi32, #tpu.memory_space<vmem>> -> memref<1x128xi32, #tpu.memory_space<vmem>>
        %dma_wait3A_142 = tpu.memref_squeeze %dma_wait3A_141 : memref<1x128xi32, #tpu.memory_space<vmem>> -> memref<128xi32, #tpu.memory_space<vmem>>
        %dma_wait3A_143 = arith.constant 0 : i32
        %dma_wait3A_144 = arith.constant 0 : i32
        %dma_wait3A_145 = tpu.memref_slice %arg2[%dma_wait3A_143, %dma_wait3A_144] : memref<10000x128xf32, #tpu.memory_space<hbm>> -> memref<10000x128xf32, #tpu.memory_space<hbm>>
        tpu.wait_indirect_dma semaphore(%arg11 : memref<!tpu.dma_semaphore, #tpu.memory_space<semaphore_mem>>) src(%dma_wait3A_145 : memref<10000x128xf32, #tpu.memory_space<hbm>>) dst(%arg8 : memref<128x128xf32, #tpu.memory_space<vmem>>)
        "tpu.region"() ({
          %run_scoped3A_146 = tpu.sem_alloc : memref<!tpu.dma_semaphore, #tpu.memory_space<semaphore_mem>>
          %dma_start3A_147 = arith.constant 0 : i32
          %dma_start3A_148 = tpu.memref_slice %arg6[%add3A_119, %dma_start3A_147] : memref<40x128xi32, #tpu.memory_space<vmem>> -> memref<1x128xi32, #tpu.memory_space<vmem>>
          %dma_start3A_149 = tpu.memref_squeeze %dma_start3A_148 : memref<1x128xi32, #tpu.memory_space<vmem>> -> memref<128xi32, #tpu.memory_space<vmem>>
          %dma_start3A_150 = arith.constant 0 : i32
          %dma_start3A_151 = arith.constant 0 : i32
          %dma_start3A_152 = tpu.memref_slice %arg9[%dma_start3A_150, %dma_start3A_151] : memref<10240x128xf32, #tpu.memory_space<vmem_shared>> -> memref<10240x128xf32, #tpu.memory_space<vmem_shared>>
          tpu.enqueue_indirect_dma source(%arg8 : memref<128x128xf32, #tpu.memory_space<vmem>>) target(%dma_start3A_152 : memref<10240x128xf32, #tpu.memory_space<vmem_shared>>) offsets(%dma_start3A_149 : memref<128xi32, #tpu.memory_space<vmem>>) semaphore(%run_scoped3A_146 : memref<!tpu.dma_semaphore, #tpu.memory_space<semaphore_mem>>) {add = true}
          %dma_wait3A_153 = arith.constant 0 : i32
          %dma_wait3A_154 = tpu.memref_slice %arg6[%add3A_119, %dma_wait3A_153] : memref<40x128xi32, #tpu.memory_space<vmem>> -> memref<1x128xi32, #tpu.memory_space<vmem>>
          %dma_wait3A_155 = tpu.memref_squeeze %dma_wait3A_154 : memref<1x128xi32, #tpu.memory_space<vmem>> -> memref<128xi32, #tpu.memory_space<vmem>>
          %dma_wait3A_156 = arith.constant 0 : i32
          %dma_wait3A_157 = arith.constant 0 : i32
          %dma_wait3A_158 = tpu.memref_slice %arg9[%dma_wait3A_156, %dma_wait3A_157] : memref<10240x128xf32, #tpu.memory_space<vmem_shared>> -> memref<10240x128xf32, #tpu.memory_space<vmem_shared>>
          tpu.wait_indirect_dma semaphore(%run_scoped3A_146 : memref<!tpu.dma_semaphore, #tpu.memory_space<semaphore_mem>>) src(%arg8 : memref<128x128xf32, #tpu.memory_space<vmem>>) dst(%dma_wait3A_158 : memref<10240x128xf32, #tpu.memory_space<vmem_shared>>)
          tpu.yield
        }) : () -> ()
      }
      %scan3A_91 = arith.constant 19 : i32
      %dma_start3A_92 = arith.constant 39 : i32
      %dma_start3A_93 = arith.constant 0 : i32
      %dma_start3A_94 = tpu.memref_slice %arg5[%dma_start3A_92, %dma_start3A_93] : memref<40x128xi32, #tpu.memory_space<vmem>> -> memref<1x128xi32, #tpu.memory_space<vmem>>
      %dma_start3A_95 = tpu.memref_squeeze %dma_start3A_94 : memref<1x128xi32, #tpu.memory_space<vmem>> -> memref<128xi32, #tpu.memory_space<vmem>>
      %dma_start3A_96 = arith.constant 0 : i32
      %dma_start3A_97 = arith.constant 0 : i32
      %dma_start3A_98 = tpu.memref_slice %arg2[%dma_start3A_96, %dma_start3A_97] : memref<10000x128xf32, #tpu.memory_space<hbm>> -> memref<10000x128xf32, #tpu.memory_space<hbm>>
      tpu.enqueue_indirect_dma source(%dma_start3A_98 : memref<10000x128xf32, #tpu.memory_space<hbm>>) target(%arg8 : memref<128x128xf32, #tpu.memory_space<vmem>>) offsets(%dma_start3A_95 : memref<128xi32, #tpu.memory_space<vmem>>) semaphore(%arg11 : memref<!tpu.dma_semaphore, #tpu.memory_space<semaphore_mem>>)
      %dma_wait3A_99 = arith.constant 38 : i32
      %dma_wait3A_100 = arith.constant 0 : i32
      %dma_wait3A_101 = tpu.memref_slice %arg5[%dma_wait3A_99, %dma_wait3A_100] : memref<40x128xi32, #tpu.memory_space<vmem>> -> memref<1x128xi32, #tpu.memory_space<vmem>>
      %dma_wait3A_102 = tpu.memref_squeeze %dma_wait3A_101 : memref<1x128xi32, #tpu.memory_space<vmem>> -> memref<128xi32, #tpu.memory_space<vmem>>
      %dma_wait3A_103 = arith.constant 0 : i32
      %dma_wait3A_104 = arith.constant 0 : i32
      %dma_wait3A_105 = tpu.memref_slice %arg2[%dma_wait3A_103, %dma_wait3A_104] : memref<10000x128xf32, #tpu.memory_space<hbm>> -> memref<10000x128xf32, #tpu.memory_space<hbm>>
      tpu.wait_indirect_dma semaphore(%arg10 : memref<!tpu.dma_semaphore, #tpu.memory_space<semaphore_mem>>) src(%dma_wait3A_105 : memref<10000x128xf32, #tpu.memory_space<hbm>>) dst(%arg7 : memref<128x128xf32, #tpu.memory_space<vmem>>)
      %run_scoped3A_106 = arith.constant 38 : i32
      "tpu.region"() ({
        %run_scoped3A_115 = tpu.sem_alloc : memref<!tpu.dma_semaphore, #tpu.memory_space<semaphore_mem>>
        %dma_start3A_116 = arith.constant 0 : i32
        %dma_start3A_117 = tpu.memref_slice %arg6[%run_scoped3A_106, %dma_start3A_116] : memref<40x128xi32, #tpu.memory_space<vmem>> -> memref<1x128xi32, #tpu.memory_space<vmem>>
        %dma_start3A_118 = tpu.memref_squeeze %dma_start3A_117 : memref<1x128xi32, #tpu.memory_space<vmem>> -> memref<128xi32, #tpu.memory_space<vmem>>
        %dma_start3A_119 = arith.constant 0 : i32
        %dma_start3A_120 = arith.constant 0 : i32
        %dma_start3A_121 = tpu.memref_slice %arg9[%dma_start3A_119, %dma_start3A_120] : memref<10240x128xf32, #tpu.memory_space<vmem_shared>> -> memref<10240x128xf32, #tpu.memory_space<vmem_shared>>
        tpu.enqueue_indirect_dma source(%arg7 : memref<128x128xf32, #tpu.memory_space<vmem>>) target(%dma_start3A_121 : memref<10240x128xf32, #tpu.memory_space<vmem_shared>>) offsets(%dma_start3A_118 : memref<128xi32, #tpu.memory_space<vmem>>) semaphore(%run_scoped3A_115 : memref<!tpu.dma_semaphore, #tpu.memory_space<semaphore_mem>>) {add = true}
        %dma_wait3A_122 = arith.constant 0 : i32
        %dma_wait3A_123 = tpu.memref_slice %arg6[%run_scoped3A_106, %dma_wait3A_122] : memref<40x128xi32, #tpu.memory_space<vmem>> -> memref<1x128xi32, #tpu.memory_space<vmem>>
        %dma_wait3A_124 = tpu.memref_squeeze %dma_wait3A_123 : memref<1x128xi32, #tpu.memory_space<vmem>> -> memref<128xi32, #tpu.memory_space<vmem>>
        %dma_wait3A_125 = arith.constant 0 : i32
        %dma_wait3A_126 = arith.constant 0 : i32
        %dma_wait3A_127 = tpu.memref_slice %arg9[%dma_wait3A_125, %dma_wait3A_126] : memref<10240x128xf32, #tpu.memory_space<vmem_shared>> -> memref<10240x128xf32, #tpu.memory_space<vmem_shared>>
        tpu.wait_indirect_dma semaphore(%run_scoped3A_115 : memref<!tpu.dma_semaphore, #tpu.memory_space<semaphore_mem>>) src(%arg7 : memref<128x128xf32, #tpu.memory_space<vmem>>) dst(%dma_wait3A_127 : memref<10240x128xf32, #tpu.memory_space<vmem_shared>>)
        tpu.yield
      }) : () -> ()
      %dma_wait3A_107 = arith.constant 39 : i32
      %dma_wait3A_108 = arith.constant 0 : i32
      %dma_wait3A_109 = tpu.memref_slice %arg5[%dma_wait3A_107, %dma_wait3A_108] : memref<40x128xi32, #tpu.memory_space<vmem>> -> memref<1x128xi32, #tpu.memory_space<vmem>>
      %dma_wait3A_110 = tpu.memref_squeeze %dma_wait3A_109 : memref<1x128xi32, #tpu.memory_space<vmem>> -> memref<128xi32, #tpu.memory_space<vmem>>
      %dma_wait3A_111 = arith.constant 0 : i32
      %dma_wait3A_112 = arith.constant 0 : i32
      %dma_wait3A_113 = tpu.memref_slice %arg2[%dma_wait3A_111, %dma_wait3A_112] : memref<10000x128xf32, #tpu.memory_space<hbm>> -> memref<10000x128xf32, #tpu.memory_space<hbm>>
      tpu.wait_indirect_dma semaphore(%arg11 : memref<!tpu.dma_semaphore, #tpu.memory_space<semaphore_mem>>) src(%dma_wait3A_113 : memref<10000x128xf32, #tpu.memory_space<hbm>>) dst(%arg8 : memref<128x128xf32, #tpu.memory_space<vmem>>)
      %run_scoped3A_114 = arith.constant 39 : i32
      "tpu.region"() ({
        %run_scoped3A_115 = tpu.sem_alloc : memref<!tpu.dma_semaphore, #tpu.memory_space<semaphore_mem>>
        %dma_start3A_116 = arith.constant 0 : i32
        %dma_start3A_117 = tpu.memref_slice %arg6[%run_scoped3A_114, %dma_start3A_116] : memref<40x128xi32, #tpu.memory_space<vmem>> -> memref<1x128xi32, #tpu.memory_space<vmem>>
        %dma_start3A_118 = tpu.memref_squeeze %dma_start3A_117 : memref<1x128xi32, #tpu.memory_space<vmem>> -> memref<128xi32, #tpu.memory_space<vmem>>
        %dma_start3A_119 = arith.constant 0 : i32
        %dma_start3A_120 = arith.constant 0 : i32
        %dma_start3A_121 = tpu.memref_slice %arg9[%dma_start3A_119, %dma_start3A_120] : memref<10240x128xf32, #tpu.memory_space<vmem_shared>> -> memref<10240x128xf32, #tpu.memory_space<vmem_shared>>
        tpu.enqueue_indirect_dma source(%arg8 : memref<128x128xf32, #tpu.memory_space<vmem>>) target(%dma_start3A_121 : memref<10240x128xf32, #tpu.memory_space<vmem_shared>>) offsets(%dma_start3A_118 : memref<128xi32, #tpu.memory_space<vmem>>) semaphore(%run_scoped3A_115 : memref<!tpu.dma_semaphore, #tpu.memory_space<semaphore_mem>>) {add = true}
        %dma_wait3A_122 = arith.constant 0 : i32
        %dma_wait3A_123 = tpu.memref_slice %arg6[%run_scoped3A_114, %dma_wait3A_122] : memref<40x128xi32, #tpu.memory_space<vmem>> -> memref<1x128xi32, #tpu.memory_space<vmem>>
        %dma_wait3A_124 = tpu.memref_squeeze %dma_wait3A_123 : memref<1x128xi32, #tpu.memory_space<vmem>> -> memref<128xi32, #tpu.memory_space<vmem>>
        %dma_wait3A_125 = arith.constant 0 : i32
        %dma_wait3A_126 = arith.constant 0 : i32
        %dma_wait3A_127 = tpu.memref_slice %arg9[%dma_wait3A_125, %dma_wait3A_126] : memref<10240x128xf32, #tpu.memory_space<vmem_shared>> -> memref<10240x128xf32, #tpu.memory_space<vmem_shared>>
        tpu.wait_indirect_dma semaphore(%run_scoped3A_115 : memref<!tpu.dma_semaphore, #tpu.memory_space<semaphore_mem>>) src(%arg8 : memref<128x128xf32, #tpu.memory_space<vmem>>) dst(%dma_wait3A_127 : memref<10240x128xf32, #tpu.memory_space<vmem_shared>>)
        tpu.yield
      }) : () -> ()
    } else {
    }
    %eq3A = arith.constant 31 : i32
    %eq3A_31 = arith.cmpi eq, %add3A, %eq3A : i32
    %convert_element_type3A_32 = arith.extui %eq3A_31 : i1 to i32
    %cond3A_33 = arith.constant 0 : i32
    %cond3A_34 = arith.cmpi ne, %convert_element_type3A_32, %cond3A_33 : i32
    scf.if %cond3A_34 {
      %run_scoped3A = arith.constant 0 : i32
      "tpu.region"() ({
        %run_scoped3A_75 = tpu.sem_alloc : memref<!tpu.dma_semaphore, #tpu.memory_space<semaphore_mem>>
        %dma_start3A_76 = arith.constant 0 : i32
        %dma_start3A_77 = arith.constant 0 : i32
        %dma_start3A_78 = tpu.memref_slice %arg5[%dma_start3A_76, %dma_start3A_77] : memref<40x128xi32, #tpu.memory_space<vmem>> -> memref<24x128xi32, #tpu.memory_space<vmem>>
        %dma_start3A_79 = arith.constant 0 : i32
        %dma_start3A_80 = tpu.memref_slice %arg3[%run_scoped3A, %mul3A_28, %dma_start3A_79] : memref<2x2504x128xi32, #tpu.memory_space<hbm>> -> memref<1x24x128xi32, #tpu.memory_space<hbm>>
        %dma_start3A_81 = tpu.memref_squeeze %dma_start3A_80 : memref<1x24x128xi32, #tpu.memory_space<hbm>> -> memref<24x128xi32, #tpu.memory_space<hbm>>
        %dma_start3A_82 = arith.constant 0 : i32
        %dma_start3A_83 = arith.constant 0 : i32
        %dma_start3A_84 = tpu.memref_slice %arg5[%dma_start3A_82, %dma_start3A_83] : memref<40x128xi32, #tpu.memory_space<vmem>> -> memref<24x128xi32, #tpu.memory_space<vmem>>
        %dma_start3A_85 = arith.constant 0 : i32
        %dma_start3A_86 = tpu.memref_slice %arg3[%run_scoped3A, %mul3A_28, %dma_start3A_85] : memref<2x2504x128xi32, #tpu.memory_space<hbm>> -> memref<1x24x128xi32, #tpu.memory_space<hbm>>
        %dma_start3A_87 = tpu.memref_squeeze %dma_start3A_86 : memref<1x24x128xi32, #tpu.memory_space<hbm>> -> memref<24x128xi32, #tpu.memory_space<hbm>>
        tpu.enqueue_dma source(%dma_start3A_87 : memref<24x128xi32, #tpu.memory_space<hbm>>) target(%dma_start3A_84 : memref<24x128xi32, #tpu.memory_space<vmem>>) target_semaphore(%run_scoped3A_75 : memref<!tpu.dma_semaphore, #tpu.memory_space<semaphore_mem>>)
        %dma_wait3A_88 = arith.constant 0 : i32
        %dma_wait3A_89 = arith.constant 0 : i32
        %dma_wait3A_90 = tpu.memref_slice %arg5[%dma_wait3A_88, %dma_wait3A_89] : memref<40x128xi32, #tpu.memory_space<vmem>> -> memref<24x128xi32, #tpu.memory_space<vmem>>
        %dma_wait3A_91 = arith.constant 0 : i32
        %dma_wait3A_92 = tpu.memref_slice %arg3[%run_scoped3A, %mul3A_28, %dma_wait3A_91] : memref<2x2504x128xi32, #tpu.memory_space<hbm>> -> memref<1x24x128xi32, #tpu.memory_space<hbm>>
        %dma_wait3A_93 = tpu.memref_squeeze %dma_wait3A_92 : memref<1x24x128xi32, #tpu.memory_space<hbm>> -> memref<24x128xi32, #tpu.memory_space<hbm>>
        %dma_wait3A_94 = arith.constant 0 : i32
        %dma_wait3A_95 = arith.constant 0 : i32
        %dma_wait3A_96 = tpu.memref_slice %arg5[%dma_wait3A_94, %dma_wait3A_95] : memref<40x128xi32, #tpu.memory_space<vmem>> -> memref<24x128xi32, #tpu.memory_space<vmem>>
        %dma_wait3A_97 = arith.constant 0 : i32
        %dma_wait3A_98 = tpu.memref_slice %arg3[%run_scoped3A, %mul3A_28, %dma_wait3A_97] : memref<2x2504x128xi32, #tpu.memory_space<hbm>> -> memref<1x24x128xi32, #tpu.memory_space<hbm>>
        %dma_wait3A_99 = tpu.memref_squeeze %dma_wait3A_98 : memref<1x24x128xi32, #tpu.memory_space<hbm>> -> memref<24x128xi32, #tpu.memory_space<hbm>>
        tpu.wait_dma2 semaphore(%run_scoped3A_75 : memref<!tpu.dma_semaphore, #tpu.memory_space<semaphore_mem>>) src(%dma_wait3A_99 : memref<24x128xi32, #tpu.memory_space<hbm>>) dst(%dma_wait3A_96 : memref<24x128xi32, #tpu.memory_space<vmem>>)
        tpu.yield
      }) : () -> ()
      %dma_start3A = arith.constant 0 : i32
      %dma_start3A_40 = arith.constant 0 : i32
      %dma_start3A_41 = tpu.memref_slice %arg5[%dma_start3A, %dma_start3A_40] : memref<40x128xi32, #tpu.memory_space<vmem>> -> memref<1x128xi32, #tpu.memory_space<vmem>>
      %dma_start3A_42 = tpu.memref_squeeze %dma_start3A_41 : memref<1x128xi32, #tpu.memory_space<vmem>> -> memref<128xi32, #tpu.memory_space<vmem>>
      %dma_start3A_43 = arith.constant 0 : i32
      %dma_start3A_44 = arith.constant 0 : i32
      %dma_start3A_45 = tpu.memref_slice %arg2[%dma_start3A_43, %dma_start3A_44] : memref<10000x128xf32, #tpu.memory_space<hbm>> -> memref<10000x128xf32, #tpu.memory_space<hbm>>
      tpu.enqueue_indirect_dma source(%dma_start3A_45 : memref<10000x128xf32, #tpu.memory_space<hbm>>) target(%arg7 : memref<128x128xf32, #tpu.memory_space<vmem>>) offsets(%dma_start3A_42 : memref<128xi32, #tpu.memory_space<vmem>>) semaphore(%arg10 : memref<!tpu.dma_semaphore, #tpu.memory_space<semaphore_mem>>)
      %run_scoped3A_46 = arith.constant 1 : i32
      "tpu.region"() ({
        %run_scoped3A_75 = tpu.sem_alloc : memref<!tpu.dma_semaphore, #tpu.memory_space<semaphore_mem>>
        %dma_start3A_76 = arith.constant 0 : i32
        %dma_start3A_77 = arith.constant 0 : i32
        %dma_start3A_78 = tpu.memref_slice %arg6[%dma_start3A_76, %dma_start3A_77] : memref<40x128xi32, #tpu.memory_space<vmem>> -> memref<24x128xi32, #tpu.memory_space<vmem>>
        %dma_start3A_79 = arith.constant 0 : i32
        %dma_start3A_80 = tpu.memref_slice %arg3[%run_scoped3A_46, %mul3A_28, %dma_start3A_79] : memref<2x2504x128xi32, #tpu.memory_space<hbm>> -> memref<1x24x128xi32, #tpu.memory_space<hbm>>
        %dma_start3A_81 = tpu.memref_squeeze %dma_start3A_80 : memref<1x24x128xi32, #tpu.memory_space<hbm>> -> memref<24x128xi32, #tpu.memory_space<hbm>>
        %dma_start3A_82 = arith.constant 0 : i32
        %dma_start3A_83 = arith.constant 0 : i32
        %dma_start3A_84 = tpu.memref_slice %arg6[%dma_start3A_82, %dma_start3A_83] : memref<40x128xi32, #tpu.memory_space<vmem>> -> memref<24x128xi32, #tpu.memory_space<vmem>>
        %dma_start3A_85 = arith.constant 0 : i32
        %dma_start3A_86 = tpu.memref_slice %arg3[%run_scoped3A_46, %mul3A_28, %dma_start3A_85] : memref<2x2504x128xi32, #tpu.memory_space<hbm>> -> memref<1x24x128xi32, #tpu.memory_space<hbm>>
        %dma_start3A_87 = tpu.memref_squeeze %dma_start3A_86 : memref<1x24x128xi32, #tpu.memory_space<hbm>> -> memref<24x128xi32, #tpu.memory_space<hbm>>
        tpu.enqueue_dma source(%dma_start3A_87 : memref<24x128xi32, #tpu.memory_space<hbm>>) target(%dma_start3A_84 : memref<24x128xi32, #tpu.memory_space<vmem>>) target_semaphore(%run_scoped3A_75 : memref<!tpu.dma_semaphore, #tpu.memory_space<semaphore_mem>>)
        %dma_wait3A_88 = arith.constant 0 : i32
        %dma_wait3A_89 = arith.constant 0 : i32
        %dma_wait3A_90 = tpu.memref_slice %arg6[%dma_wait3A_88, %dma_wait3A_89] : memref<40x128xi32, #tpu.memory_space<vmem>> -> memref<24x128xi32, #tpu.memory_space<vmem>>
        %dma_wait3A_91 = arith.constant 0 : i32
        %dma_wait3A_92 = tpu.memref_slice %arg3[%run_scoped3A_46, %mul3A_28, %dma_wait3A_91] : memref<2x2504x128xi32, #tpu.memory_space<hbm>> -> memref<1x24x128xi32, #tpu.memory_space<hbm>>
        %dma_wait3A_93 = tpu.memref_squeeze %dma_wait3A_92 : memref<1x24x128xi32, #tpu.memory_space<hbm>> -> memref<24x128xi32, #tpu.memory_space<hbm>>
        %dma_wait3A_94 = arith.constant 0 : i32
        %dma_wait3A_95 = arith.constant 0 : i32
        %dma_wait3A_96 = tpu.memref_slice %arg6[%dma_wait3A_94, %dma_wait3A_95] : memref<40x128xi32, #tpu.memory_space<vmem>> -> memref<24x128xi32, #tpu.memory_space<vmem>>
        %dma_wait3A_97 = arith.constant 0 : i32
        %dma_wait3A_98 = tpu.memref_slice %arg3[%run_scoped3A_46, %mul3A_28, %dma_wait3A_97] : memref<2x2504x128xi32, #tpu.memory_space<hbm>> -> memref<1x24x128xi32, #tpu.memory_space<hbm>>
        %dma_wait3A_99 = tpu.memref_squeeze %dma_wait3A_98 : memref<1x24x128xi32, #tpu.memory_space<hbm>> -> memref<24x128xi32, #tpu.memory_space<hbm>>
        tpu.wait_dma2 semaphore(%run_scoped3A_75 : memref<!tpu.dma_semaphore, #tpu.memory_space<semaphore_mem>>) src(%dma_wait3A_99 : memref<24x128xi32, #tpu.memory_space<hbm>>) dst(%dma_wait3A_96 : memref<24x128xi32, #tpu.memory_space<vmem>>)
        tpu.yield
      }) : () -> ()
      %scan3A_47 = arith.constant 0 : i32
      %scan3A_48 = arith.constant 0 : i32
      %scan3A_49 = arith.constant 9 : i32
      %scan3A_50 = arith.addi %scan3A_48, %scan3A_49 : i32
      %scan3A_51 = arith.constant 1 : i32
      scf.for %scan3A_75 = %scan3A_48 to %scan3A_50 step %scan3A_51  : i32 {
        %mul3A_76 = arith.constant 2 : i32
        %mul3A_77 = arith.muli %mul3A_76, %scan3A_75 : i32
        %add3A_78 = arith.constant 1 : i32
        %add3A_79 = arith.addi %mul3A_77, %add3A_78 : i32
        %dma_start3A_80 = arith.constant 0 : i32
        %dma_start3A_81 = tpu.memref_slice %arg5[%add3A_79, %dma_start3A_80] : memref<40x128xi32, #tpu.memory_space<vmem>> -> memref<1x128xi32, #tpu.memory_space<vmem>>
        %dma_start3A_82 = tpu.memref_squeeze %dma_start3A_81 : memref<1x128xi32, #tpu.memory_space<vmem>> -> memref<128xi32, #tpu.memory_space<vmem>>
        %dma_start3A_83 = arith.constant 0 : i32
        %dma_start3A_84 = arith.constant 0 : i32
        %dma_start3A_85 = tpu.memref_slice %arg2[%dma_start3A_83, %dma_start3A_84] : memref<10000x128xf32, #tpu.memory_space<hbm>> -> memref<10000x128xf32, #tpu.memory_space<hbm>>
        tpu.enqueue_indirect_dma source(%dma_start3A_85 : memref<10000x128xf32, #tpu.memory_space<hbm>>) target(%arg8 : memref<128x128xf32, #tpu.memory_space<vmem>>) offsets(%dma_start3A_82 : memref<128xi32, #tpu.memory_space<vmem>>) semaphore(%arg11 : memref<!tpu.dma_semaphore, #tpu.memory_space<semaphore_mem>>)
        %dma_wait3A_86 = arith.constant 0 : i32
        %dma_wait3A_87 = tpu.memref_slice %arg5[%mul3A_77, %dma_wait3A_86] : memref<40x128xi32, #tpu.memory_space<vmem>> -> memref<1x128xi32, #tpu.memory_space<vmem>>
        %dma_wait3A_88 = tpu.memref_squeeze %dma_wait3A_87 : memref<1x128xi32, #tpu.memory_space<vmem>> -> memref<128xi32, #tpu.memory_space<vmem>>
        %dma_wait3A_89 = arith.constant 0 : i32
        %dma_wait3A_90 = arith.constant 0 : i32
        %dma_wait3A_91 = tpu.memref_slice %arg2[%dma_wait3A_89, %dma_wait3A_90] : memref<10000x128xf32, #tpu.memory_space<hbm>> -> memref<10000x128xf32, #tpu.memory_space<hbm>>
        tpu.wait_indirect_dma semaphore(%arg10 : memref<!tpu.dma_semaphore, #tpu.memory_space<semaphore_mem>>) src(%dma_wait3A_91 : memref<10000x128xf32, #tpu.memory_space<hbm>>) dst(%arg7 : memref<128x128xf32, #tpu.memory_space<vmem>>)
        "tpu.region"() ({
          %run_scoped3A_106 = tpu.sem_alloc : memref<!tpu.dma_semaphore, #tpu.memory_space<semaphore_mem>>
          %dma_start3A_107 = arith.constant 0 : i32
          %dma_start3A_108 = tpu.memref_slice %arg6[%mul3A_77, %dma_start3A_107] : memref<40x128xi32, #tpu.memory_space<vmem>> -> memref<1x128xi32, #tpu.memory_space<vmem>>
          %dma_start3A_109 = tpu.memref_squeeze %dma_start3A_108 : memref<1x128xi32, #tpu.memory_space<vmem>> -> memref<128xi32, #tpu.memory_space<vmem>>
          %dma_start3A_110 = arith.constant 0 : i32
          %dma_start3A_111 = arith.constant 0 : i32
          %dma_start3A_112 = tpu.memref_slice %arg9[%dma_start3A_110, %dma_start3A_111] : memref<10240x128xf32, #tpu.memory_space<vmem_shared>> -> memref<10240x128xf32, #tpu.memory_space<vmem_shared>>
          tpu.enqueue_indirect_dma source(%arg7 : memref<128x128xf32, #tpu.memory_space<vmem>>) target(%dma_start3A_112 : memref<10240x128xf32, #tpu.memory_space<vmem_shared>>) offsets(%dma_start3A_109 : memref<128xi32, #tpu.memory_space<vmem>>) semaphore(%run_scoped3A_106 : memref<!tpu.dma_semaphore, #tpu.memory_space<semaphore_mem>>) {add = true}
          %dma_wait3A_113 = arith.constant 0 : i32
          %dma_wait3A_114 = tpu.memref_slice %arg6[%mul3A_77, %dma_wait3A_113] : memref<40x128xi32, #tpu.memory_space<vmem>> -> memref<1x128xi32, #tpu.memory_space<vmem>>
          %dma_wait3A_115 = tpu.memref_squeeze %dma_wait3A_114 : memref<1x128xi32, #tpu.memory_space<vmem>> -> memref<128xi32, #tpu.memory_space<vmem>>
          %dma_wait3A_116 = arith.constant 0 : i32
          %dma_wait3A_117 = arith.constant 0 : i32
          %dma_wait3A_118 = tpu.memref_slice %arg9[%dma_wait3A_116, %dma_wait3A_117] : memref<10240x128xf32, #tpu.memory_space<vmem_shared>> -> memref<10240x128xf32, #tpu.memory_space<vmem_shared>>
          tpu.wait_indirect_dma semaphore(%run_scoped3A_106 : memref<!tpu.dma_semaphore, #tpu.memory_space<semaphore_mem>>) src(%arg7 : memref<128x128xf32, #tpu.memory_space<vmem>>) dst(%dma_wait3A_118 : memref<10240x128xf32, #tpu.memory_space<vmem_shared>>)
          tpu.yield
        }) : () -> ()
        %add3A_92 = arith.constant 2 : i32
        %add3A_93 = arith.addi %mul3A_77, %add3A_92 : i32
        %dma_start3A_94 = arith.constant 0 : i32
        %dma_start3A_95 = tpu.memref_slice %arg5[%add3A_93, %dma_start3A_94] : memref<40x128xi32, #tpu.memory_space<vmem>> -> memref<1x128xi32, #tpu.memory_space<vmem>>
        %dma_start3A_96 = tpu.memref_squeeze %dma_start3A_95 : memref<1x128xi32, #tpu.memory_space<vmem>> -> memref<128xi32, #tpu.memory_space<vmem>>
        %dma_start3A_97 = arith.constant 0 : i32
        %dma_start3A_98 = arith.constant 0 : i32
        %dma_start3A_99 = tpu.memref_slice %arg2[%dma_start3A_97, %dma_start3A_98] : memref<10000x128xf32, #tpu.memory_space<hbm>> -> memref<10000x128xf32, #tpu.memory_space<hbm>>
        tpu.enqueue_indirect_dma source(%dma_start3A_99 : memref<10000x128xf32, #tpu.memory_space<hbm>>) target(%arg7 : memref<128x128xf32, #tpu.memory_space<vmem>>) offsets(%dma_start3A_96 : memref<128xi32, #tpu.memory_space<vmem>>) semaphore(%arg10 : memref<!tpu.dma_semaphore, #tpu.memory_space<semaphore_mem>>)
        %dma_wait3A_100 = arith.constant 0 : i32
        %dma_wait3A_101 = tpu.memref_slice %arg5[%add3A_79, %dma_wait3A_100] : memref<40x128xi32, #tpu.memory_space<vmem>> -> memref<1x128xi32, #tpu.memory_space<vmem>>
        %dma_wait3A_102 = tpu.memref_squeeze %dma_wait3A_101 : memref<1x128xi32, #tpu.memory_space<vmem>> -> memref<128xi32, #tpu.memory_space<vmem>>
        %dma_wait3A_103 = arith.constant 0 : i32
        %dma_wait3A_104 = arith.constant 0 : i32
        %dma_wait3A_105 = tpu.memref_slice %arg2[%dma_wait3A_103, %dma_wait3A_104] : memref<10000x128xf32, #tpu.memory_space<hbm>> -> memref<10000x128xf32, #tpu.memory_space<hbm>>
        tpu.wait_indirect_dma semaphore(%arg11 : memref<!tpu.dma_semaphore, #tpu.memory_space<semaphore_mem>>) src(%dma_wait3A_105 : memref<10000x128xf32, #tpu.memory_space<hbm>>) dst(%arg8 : memref<128x128xf32, #tpu.memory_space<vmem>>)
        "tpu.region"() ({
          %run_scoped3A_106 = tpu.sem_alloc : memref<!tpu.dma_semaphore, #tpu.memory_space<semaphore_mem>>
          %dma_start3A_107 = arith.constant 0 : i32
          %dma_start3A_108 = tpu.memref_slice %arg6[%add3A_79, %dma_start3A_107] : memref<40x128xi32, #tpu.memory_space<vmem>> -> memref<1x128xi32, #tpu.memory_space<vmem>>
          %dma_start3A_109 = tpu.memref_squeeze %dma_start3A_108 : memref<1x128xi32, #tpu.memory_space<vmem>> -> memref<128xi32, #tpu.memory_space<vmem>>
          %dma_start3A_110 = arith.constant 0 : i32
          %dma_start3A_111 = arith.constant 0 : i32
          %dma_start3A_112 = tpu.memref_slice %arg9[%dma_start3A_110, %dma_start3A_111] : memref<10240x128xf32, #tpu.memory_space<vmem_shared>> -> memref<10240x128xf32, #tpu.memory_space<vmem_shared>>
          tpu.enqueue_indirect_dma source(%arg8 : memref<128x128xf32, #tpu.memory_space<vmem>>) target(%dma_start3A_112 : memref<10240x128xf32, #tpu.memory_space<vmem_shared>>) offsets(%dma_start3A_109 : memref<128xi32, #tpu.memory_space<vmem>>) semaphore(%run_scoped3A_106 : memref<!tpu.dma_semaphore, #tpu.memory_space<semaphore_mem>>) {add = true}
          %dma_wait3A_113 = arith.constant 0 : i32
          %dma_wait3A_114 = tpu.memref_slice %arg6[%add3A_79, %dma_wait3A_113] : memref<40x128xi32, #tpu.memory_space<vmem>> -> memref<1x128xi32, #tpu.memory_space<vmem>>
          %dma_wait3A_115 = tpu.memref_squeeze %dma_wait3A_114 : memref<1x128xi32, #tpu.memory_space<vmem>> -> memref<128xi32, #tpu.memory_space<vmem>>
          %dma_wait3A_116 = arith.constant 0 : i32
          %dma_wait3A_117 = arith.constant 0 : i32
          %dma_wait3A_118 = tpu.memref_slice %arg9[%dma_wait3A_116, %dma_wait3A_117] : memref<10240x128xf32, #tpu.memory_space<vmem_shared>> -> memref<10240x128xf32, #tpu.memory_space<vmem_shared>>
          tpu.wait_indirect_dma semaphore(%run_scoped3A_106 : memref<!tpu.dma_semaphore, #tpu.memory_space<semaphore_mem>>) src(%arg8 : memref<128x128xf32, #tpu.memory_space<vmem>>) dst(%dma_wait3A_118 : memref<10240x128xf32, #tpu.memory_space<vmem_shared>>)
          tpu.yield
        }) : () -> ()
      }
      %scan3A_52 = arith.constant 9 : i32
      %dma_start3A_53 = arith.constant 19 : i32
      %dma_start3A_54 = arith.constant 0 : i32
      %dma_start3A_55 = tpu.memref_slice %arg5[%dma_start3A_53, %dma_start3A_54] : memref<40x128xi32, #tpu.memory_space<vmem>> -> memref<1x128xi32, #tpu.memory_space<vmem>>
      %dma_start3A_56 = tpu.memref_squeeze %dma_start3A_55 : memref<1x128xi32, #tpu.memory_space<vmem>> -> memref<128xi32, #tpu.memory_space<vmem>>
      %dma_start3A_57 = arith.constant 0 : i32
      %dma_start3A_58 = arith.constant 0 : i32
      %dma_start3A_59 = tpu.memref_slice %arg2[%dma_start3A_57, %dma_start3A_58] : memref<10000x128xf32, #tpu.memory_space<hbm>> -> memref<10000x128xf32, #tpu.memory_space<hbm>>
      tpu.enqueue_indirect_dma source(%dma_start3A_59 : memref<10000x128xf32, #tpu.memory_space<hbm>>) target(%arg8 : memref<128x128xf32, #tpu.memory_space<vmem>>) offsets(%dma_start3A_56 : memref<128xi32, #tpu.memory_space<vmem>>) semaphore(%arg11 : memref<!tpu.dma_semaphore, #tpu.memory_space<semaphore_mem>>)
      %dma_wait3A = arith.constant 18 : i32
      %dma_wait3A_60 = arith.constant 0 : i32
      %dma_wait3A_61 = tpu.memref_slice %arg5[%dma_wait3A, %dma_wait3A_60] : memref<40x128xi32, #tpu.memory_space<vmem>> -> memref<1x128xi32, #tpu.memory_space<vmem>>
      %dma_wait3A_62 = tpu.memref_squeeze %dma_wait3A_61 : memref<1x128xi32, #tpu.memory_space<vmem>> -> memref<128xi32, #tpu.memory_space<vmem>>
      %dma_wait3A_63 = arith.constant 0 : i32
      %dma_wait3A_64 = arith.constant 0 : i32
      %dma_wait3A_65 = tpu.memref_slice %arg2[%dma_wait3A_63, %dma_wait3A_64] : memref<10000x128xf32, #tpu.memory_space<hbm>> -> memref<10000x128xf32, #tpu.memory_space<hbm>>
      tpu.wait_indirect_dma semaphore(%arg10 : memref<!tpu.dma_semaphore, #tpu.memory_space<semaphore_mem>>) src(%dma_wait3A_65 : memref<10000x128xf32, #tpu.memory_space<hbm>>) dst(%arg7 : memref<128x128xf32, #tpu.memory_space<vmem>>)
      %run_scoped3A_66 = arith.constant 18 : i32
      "tpu.region"() ({
        %run_scoped3A_75 = tpu.sem_alloc : memref<!tpu.dma_semaphore, #tpu.memory_space<semaphore_mem>>
        %dma_start3A_76 = arith.constant 0 : i32
        %dma_start3A_77 = tpu.memref_slice %arg6[%run_scoped3A_66, %dma_start3A_76] : memref<40x128xi32, #tpu.memory_space<vmem>> -> memref<1x128xi32, #tpu.memory_space<vmem>>
        %dma_start3A_78 = tpu.memref_squeeze %dma_start3A_77 : memref<1x128xi32, #tpu.memory_space<vmem>> -> memref<128xi32, #tpu.memory_space<vmem>>
        %dma_start3A_79 = arith.constant 0 : i32
        %dma_start3A_80 = arith.constant 0 : i32
        %dma_start3A_81 = tpu.memref_slice %arg9[%dma_start3A_79, %dma_start3A_80] : memref<10240x128xf32, #tpu.memory_space<vmem_shared>> -> memref<10240x128xf32, #tpu.memory_space<vmem_shared>>
        tpu.enqueue_indirect_dma source(%arg7 : memref<128x128xf32, #tpu.memory_space<vmem>>) target(%dma_start3A_81 : memref<10240x128xf32, #tpu.memory_space<vmem_shared>>) offsets(%dma_start3A_78 : memref<128xi32, #tpu.memory_space<vmem>>) semaphore(%run_scoped3A_75 : memref<!tpu.dma_semaphore, #tpu.memory_space<semaphore_mem>>) {add = true}
        %dma_wait3A_82 = arith.constant 0 : i32
        %dma_wait3A_83 = tpu.memref_slice %arg6[%run_scoped3A_66, %dma_wait3A_82] : memref<40x128xi32, #tpu.memory_space<vmem>> -> memref<1x128xi32, #tpu.memory_space<vmem>>
        %dma_wait3A_84 = tpu.memref_squeeze %dma_wait3A_83 : memref<1x128xi32, #tpu.memory_space<vmem>> -> memref<128xi32, #tpu.memory_space<vmem>>
        %dma_wait3A_85 = arith.constant 0 : i32
        %dma_wait3A_86 = arith.constant 0 : i32
        %dma_wait3A_87 = tpu.memref_slice %arg9[%dma_wait3A_85, %dma_wait3A_86] : memref<10240x128xf32, #tpu.memory_space<vmem_shared>> -> memref<10240x128xf32, #tpu.memory_space<vmem_shared>>
        tpu.wait_indirect_dma semaphore(%run_scoped3A_75 : memref<!tpu.dma_semaphore, #tpu.memory_space<semaphore_mem>>) src(%arg7 : memref<128x128xf32, #tpu.memory_space<vmem>>) dst(%dma_wait3A_87 : memref<10240x128xf32, #tpu.memory_space<vmem_shared>>)
        tpu.yield
      }) : () -> ()
      %dma_wait3A_67 = arith.constant 19 : i32
      %dma_wait3A_68 = arith.constant 0 : i32
      %dma_wait3A_69 = tpu.memref_slice %arg5[%dma_wait3A_67, %dma_wait3A_68] : memref<40x128xi32, #tpu.memory_space<vmem>> -> memref<1x128xi32, #tpu.memory_space<vmem>>
      %dma_wait3A_70 = tpu.memref_squeeze %dma_wait3A_69 : memref<1x128xi32, #tpu.memory_space<vmem>> -> memref<128xi32, #tpu.memory_space<vmem>>
      %dma_wait3A_71 = arith.constant 0 : i32
      %dma_wait3A_72 = arith.constant 0 : i32
      %dma_wait3A_73 = tpu.memref_slice %arg2[%dma_wait3A_71, %dma_wait3A_72] : memref<10000x128xf32, #tpu.memory_space<hbm>> -> memref<10000x128xf32, #tpu.memory_space<hbm>>
      tpu.wait_indirect_dma semaphore(%arg11 : memref<!tpu.dma_semaphore, #tpu.memory_space<semaphore_mem>>) src(%dma_wait3A_73 : memref<10000x128xf32, #tpu.memory_space<hbm>>) dst(%arg8 : memref<128x128xf32, #tpu.memory_space<vmem>>)
      %run_scoped3A_74 = arith.constant 19 : i32
      "tpu.region"() ({
        %run_scoped3A_75 = tpu.sem_alloc : memref<!tpu.dma_semaphore, #tpu.memory_space<semaphore_mem>>
        %dma_start3A_76 = arith.constant 0 : i32
        %dma_start3A_77 = tpu.memref_slice %arg6[%run_scoped3A_74, %dma_start3A_76] : memref<40x128xi32, #tpu.memory_space<vmem>> -> memref<1x128xi32, #tpu.memory_space<vmem>>
        %dma_start3A_78 = tpu.memref_squeeze %dma_start3A_77 : memref<1x128xi32, #tpu.memory_space<vmem>> -> memref<128xi32, #tpu.memory_space<vmem>>
        %dma_start3A_79 = arith.constant 0 : i32
        %dma_start3A_80 = arith.constant 0 : i32
        %dma_start3A_81 = tpu.memref_slice %arg9[%dma_start3A_79, %dma_start3A_80] : memref<10240x128xf32, #tpu.memory_space<vmem_shared>> -> memref<10240x128xf32, #tpu.memory_space<vmem_shared>>
        tpu.enqueue_indirect_dma source(%arg8 : memref<128x128xf32, #tpu.memory_space<vmem>>) target(%dma_start3A_81 : memref<10240x128xf32, #tpu.memory_space<vmem_shared>>) offsets(%dma_start3A_78 : memref<128xi32, #tpu.memory_space<vmem>>) semaphore(%run_scoped3A_75 : memref<!tpu.dma_semaphore, #tpu.memory_space<semaphore_mem>>) {add = true}
        %dma_wait3A_82 = arith.constant 0 : i32
        %dma_wait3A_83 = tpu.memref_slice %arg6[%run_scoped3A_74, %dma_wait3A_82] : memref<40x128xi32, #tpu.memory_space<vmem>> -> memref<1x128xi32, #tpu.memory_space<vmem>>
        %dma_wait3A_84 = tpu.memref_squeeze %dma_wait3A_83 : memref<1x128xi32, #tpu.memory_space<vmem>> -> memref<128xi32, #tpu.memory_space<vmem>>
        %dma_wait3A_85 = arith.constant 0 : i32
        %dma_wait3A_86 = arith.constant 0 : i32
        %dma_wait3A_87 = tpu.memref_slice %arg9[%dma_wait3A_85, %dma_wait3A_86] : memref<10240x128xf32, #tpu.memory_space<vmem_shared>> -> memref<10240x128xf32, #tpu.memory_space<vmem_shared>>
        tpu.wait_indirect_dma semaphore(%run_scoped3A_75 : memref<!tpu.dma_semaphore, #tpu.memory_space<semaphore_mem>>) src(%arg8 : memref<128x128xf32, #tpu.memory_space<vmem>>) dst(%dma_wait3A_87 : memref<10240x128xf32, #tpu.memory_space<vmem_shared>>)
        tpu.yield
      }) : () -> ()
    } else {
    }
    %barrier3A_35 = arith.constant 0 : index
    tpu.barrier barrier_id(%barrier3A_35)
    %mul3A_36 = arith.constant 640 : i32
    %mul3A_37 = arith.muli %arg1, %mul3A_36 : i32
    %mul3A_38 = arith.constant 640 : i32
    %mul3A_39 = arith.muli %arg1, %mul3A_38 : i32
    "tpu.region"() ({
      %run_scoped3A = tpu.sem_alloc : memref<!tpu.dma_semaphore, #tpu.memory_space<semaphore_mem>>
      %dma_start3A = arith.constant 0 : i32
      %dma_start3A_40 = tpu.memref_slice %arg4[%arg0, %mul3A_39, %dma_start3A] : memref<2x10240x128xf32, #tpu.memory_space<hbm>> -> memref<1x640x128xf32, #tpu.memory_space<hbm>>
      %dma_start3A_41 = tpu.memref_squeeze %dma_start3A_40 : memref<1x640x128xf32, #tpu.memory_space<hbm>> -> memref<640x128xf32, #tpu.memory_space<hbm>>
      %dma_start3A_42 = arith.constant 0 : i32
      %dma_start3A_43 = tpu.memref_slice %arg9[%mul3A_37, %dma_start3A_42] : memref<10240x128xf32, #tpu.memory_space<vmem_shared>> -> memref<640x128xf32, #tpu.memory_space<vmem_shared>>
      tpu.enqueue_dma source(%dma_start3A_43 : memref<640x128xf32, #tpu.memory_space<vmem_shared>>) target(%dma_start3A_41 : memref<640x128xf32, #tpu.memory_space<hbm>>) target_semaphore(%run_scoped3A : memref<!tpu.dma_semaphore, #tpu.memory_space<semaphore_mem>>)
      %dma_wait3A = arith.constant 0 : i32
      %dma_wait3A_44 = tpu.memref_slice %arg4[%arg0, %mul3A_39, %dma_wait3A] : memref<2x10240x128xf32, #tpu.memory_space<hbm>> -> memref<1x640x128xf32, #tpu.memory_space<hbm>>
      %dma_wait3A_45 = tpu.memref_squeeze %dma_wait3A_44 : memref<1x640x128xf32, #tpu.memory_space<hbm>> -> memref<640x128xf32, #tpu.memory_space<hbm>>
      %dma_wait3A_46 = arith.constant 0 : i32
      %dma_wait3A_47 = tpu.memref_slice %arg9[%mul3A_37, %dma_wait3A_46] : memref<10240x128xf32, #tpu.memory_space<vmem_shared>> -> memref<640x128xf32, #tpu.memory_space<vmem_shared>>
      tpu.wait_dma2 semaphore(%run_scoped3A : memref<!tpu.dma_semaphore, #tpu.memory_space<semaphore_mem>>) src(%dma_wait3A_47 : memref<640x128xf32, #tpu.memory_space<vmem_shared>>) dst(%dma_wait3A_45 : memref<640x128xf32, #tpu.memory_space<hbm>>)
      tpu.yield
    }) : () -> ()
    return
  }
}

module attributes {stable_mosaic.version = 14 : i64} {
  func.func @body(%arg0: i32, %arg1: memref<2x2000x128xf32, #tpu.memory_space<vmem>>, %arg2: memref<2000x128xf32, #tpu.memory_space<vmem>>, %arg3: memref<128x128xf32, #tpu.memory_space<vmem>>, %arg4: memref<2000x128xf32, #tpu.memory_space<vmem>>) attributes {dimension_semantics = [#tpu.dimension_semantics<arbitrary>], iteration_bounds = array<i64: 5>, scalar_prefetch = 0 : i64, scratch_operands = 0 : i64, tpu.core_type = #tpu.core_type<tc>, window_params = [{transform_indices = @transform_0, window_bounds = array<i64: 2, 2000, 128>}, {transform_indices = @transform_1, window_bounds = array<i64: 2000, 128>}, {pipeline_mode = #tpu.pipeline_mode<synchronous>, transform_indices = @transform_2, window_bounds = array<i64: 128, 128>}, {transform_indices = @transform_3, window_bounds = array<i64: 2000, 128>}]} {
    %get3A = arith.constant 0 : index
    %get3A_0 = arith.constant 0 : index
    %get3A_1 = arith.constant 0 : index
    %get3A_2 = vector.load %arg1[%get3A, %get3A_0, %get3A_1] : memref<2x2000x128xf32, #tpu.memory_space<vmem>>, vector<1x2000x128xf32>
    %get3A_3 = vector.shape_cast %get3A_2 : vector<1x2000x128xf32> to vector<2000x128xf32>
    %get3A_4 = arith.constant 1 : index
    %get3A_5 = arith.constant 0 : index
    %get3A_6 = arith.constant 0 : index
    %get3A_7 = vector.load %arg1[%get3A_4, %get3A_5, %get3A_6] : memref<2x2000x128xf32, #tpu.memory_space<vmem>>, vector<1x2000x128xf32>
    %get3A_8 = vector.shape_cast %get3A_7 : vector<1x2000x128xf32> to vector<2000x128xf32>
    %add3A = arith.addf %get3A_3, %get3A_8 : vector<2000x128xf32>
    %get3A_9 = arith.constant 0 : index
    %get3A_10 = arith.constant 0 : index
    %get3A_11 = vector.load %arg3[%get3A_9, %get3A_10] : memref<128x128xf32, #tpu.memory_space<vmem>>, vector<128x128xf32>
    %dot_general3A = arith.constant dense<0.000000e+00> : vector<2000x128xf32>
    %dot_general3A_12 = tpu.matmul %add3A, %get3A_11, %dot_general3A {dimension_numbers = #tpu.dot_dimension_numbers<[1], [1], [0], [0], [0, 0, 1, 0], [], []>, transpose_lhs_hint = false} : vector<2000x128xf32>, vector<128x128xf32>, vector<2000x128xf32> -> vector<2000x128xf32>
    %max3A = arith.constant 0.000000e+00 : f32
    %max3A_13 = vector.broadcast %max3A : f32 to vector<2000x128xf32>
    %max3A_14 = arith.maximumf %dot_general3A_12, %max3A_13 : vector<2000x128xf32>
    %get3A_15 = arith.constant 0 : index
    %get3A_16 = arith.constant 0 : index
    %get3A_17 = vector.load %arg2[%get3A_15, %get3A_16] : memref<2000x128xf32, #tpu.memory_space<vmem>>, vector<2000x128xf32>
    %add3A_18 = arith.addf %max3A_14, %get3A_17 : vector<2000x128xf32>
    %swap3A = arith.constant 0 : index
    %swap3A_19 = arith.constant 0 : index
    %swap3A_20 = vector.load %arg4[%swap3A, %swap3A_19] : memref<2000x128xf32, #tpu.memory_space<vmem>>, vector<2000x128xf32>
    tpu.vector_store %arg4[%swap3A, %swap3A_19], %add3A_18 {strides = array<i32>} : memref<2000x128xf32, #tpu.memory_space<vmem>>, vector<2000x128xf32>,
    return
  }
  func.func @transform_0(%arg0: i32) -> (i32, i32, i32) {
    %c0_i32 = arith.constant 0 : i32
    %c0_i32_0 = arith.constant 0 : i32
    %c0_i32_1 = arith.constant 0 : i32
    return %c0_i32, %arg0, %c0_i32_0 : i32, i32, i32
  }
  func.func @transform_1(%arg0: i32) -> (i32, i32) {
    %c0_i32 = arith.constant 0 : i32
    %c0_i32_0 = arith.constant 0 : i32
    return %arg0, %c0_i32 : i32, i32
  }
  func.func @transform_2(%arg0: i32) -> (i32, i32) {
    %c0_i32 = arith.constant 0 : i32
    %c0_i32_0 = arith.constant 0 : i32
    %c0_i32_1 = arith.constant 0 : i32
    return %c0_i32, %c0_i32_0 : i32, i32
  }
  func.func @transform_3(%arg0: i32) -> (i32, i32) {
    %c0_i32 = arith.constant 0 : i32
    %c0_i32_0 = arith.constant 0 : i32
    return %arg0, %c0_i32 : i32, i32
  }
}

</mosaic_0001>

<sc_bundles>
// kernel: kernel.4.cloned.1.call-start
scs
__scs_entry_jumppad:
0x0: {  	(pc) =	sbr.rel $0x88, $3  }
0x1: {  	(tag) =	ssettag $0x0;
	lr =	simm.s32 $0x1  }
0x2: {  	[smem:$0x3F9E] =	sst lr;
	_ =	strace $0xD0000000  }
0x3: {  	_ = 	snop  }
0x4: {  	_ = 	snop  }
0x5: {  	_ = 	snop  }
0x6: {  	_ = 	snop  }
0x7: {  	_ = 	snop  }
__scs_overlays_trampoline_lowered:
0x8: {  	[smem:$0x3FAD] =	sst s0  }
0x9: {  	[smem:$0x3FAE] =	sst s1  }
0xa: {  	[smem:$0x3FAF] =	sst s2  }
0xb: {  	[smem:$0x3FB0] =	sst s3  }
0xc: {  	[smem:$0x3FB1] =	sst s4  }
0xd: {  	[smem:$0x3FB2] =	sst s5  }
0xe: {  	[smem:$0x3FB3] =	sst s6  }
0xf: {  	[smem:$0x3FB4] =	sst s7  }
0x10: {  	[smem:$0x3FB5] =	sst s8  }
0x11: {  	[smem:$0x3FB6] =	sst s9;
	s0 =	simm.s32 @!p0 $0x0  }
0x12: {  	s1 =	sld [smem:$0x3F9C];
	s0 =	simm.s32 @p0 $0x1  }
0x13: {  	[smem:$0x3FB7] =	sst s0;
	s0 =	simm.s32 @!p1 $0x0  }
0x14: {  	s2 =	sld [smem:$0x3F9B];
	s0 =	simm.s32 @p1 $0x1  }
0x15: {  	[smem:$0x3FB8] =	sst s0;
	s0 =	simm.s32 @!p2 $0x0  }
0x16: {  	s3 =	sld [smem:$0x3FDB];
	s0 =	simm.s32 @p2 $0x1  }
0x17: {  	s4 =	simm.s32 $0x1BF5;
	[smem:$0x3FBA] =	sst s0  }
0x18: {  	s0 =	sld [smem:$0x3F9D];
	_ =	swait.ge [sflag:s4], $0x0  }
0x19: {  	s7 =	sld [smem:$0x3F9E]  }
0x1a: {  	s8 =	sadd.s32 $0xFFFFE003, lr  }
0x1b: {  	s9 =	sadd.s32 $0xFFFFFEF7, lr;
	s5 =	simm.s32 $0xFFFFFFFF;
	p2 =	slt.u32 s8, $0xFFFFF086  }
0x1c: {  	p1 =	slt.u32 s9, $0xF7A;
	s5 =	simm.s32 @!p2 $0x0  }
0x1d: {  	s5 =	simm.s32 @p1 $0x1;
	p0 =	seq.s32 s7, s2  }
0x1e: {  	s7 =	smul.u32 @!p0 $0xF7A, s2;
	p2 =	seq.s32 @!p0 s5, $0x0  }
0x1f: {  	s9 =	smul.u32 $0xF7A, s1;
	s8 =	simm.s32 @!p0 $0x1BF5;
	p2 =	por !p2, p0  }
0x20: {  	[sflag:s8] =	ssyncset.s32 @!p0 $0xFFFFF086;
	s6 =	sadd.s32 @!p0 s3, s7;
	s7 =	simm.s32 @!p0 $0x108  }
0x21: {  	s3 =	sadd.s32 s3, s9;
	s6 =	sadd.s32 @!p0 $0x88, s6;
	s7 =	simm.s32 @p2 $0x1082  }
0x22: {  	[simem:s7], [sflag:s8] =	dma.local @!p0 [hbm:s6], $0xF7A  }
0x23: {  	s9 =	sor.u32 $0xD0000000, s2;
	s6 =	simm.s32 $0x108;
	_ =	swait.ge @!p0 [sflag:s8], $0x0  }
0x24: {  	s3 =	sadd.s32 $0x88, s3;
	s6 =	simm.s32 @!p1 $0x1082;
	[sflag:s4] =	ssyncset.s32 $0xFFFFF086  }
0x25: {  	[simem:s6], [sflag:s4] =	dma.local [hbm:s3], $0xF7A  }
0x26: {  	[smem:$0x3F9E] =	sst s1;
	(tag) =	ssettag s2;
	_ =	strace s9  }
0x27: {  	s1 =	sld [smem:$0x3FAE]  }
0x28: {  	s2 =	sld [smem:$0x3FAF]  }
0x29: {  	s4 =	sld [smem:$0x3FB1]  }
0x2a: {  	p0 =	seq.s32 s5, $0x0;
	s5 =	sld [smem:$0x3FB2]  }
0x2b: {  	s6 =	sld [smem:$0x3FB3]  }
0x2c: {  	s7 =	sld [smem:$0x3FB4]  }
0x2d: {  	s3 =	simm.s32 $0x108;
	s8 =	sld [smem:$0x3FB5]  }
0x2e: {  	s3 =	simm.s32 @!p0 $0x1082;
	s9 =	sld [smem:$0x3FB6]  }
0x2f: {  	lr =	sadd.s32 s0, s3;
	s0 =	sld [smem:$0x3FAD]  }
0x30: {  	s3 =	sld [smem:$0x3FB0]  }
0x31: {  	[smem:$0x3FB9] =	sst s10  }
0x32: {  	s10 =	sld [smem:$0x3FB7];
	_ =	sdelay $0x3  }
0x33: {  	p0 =	seq.s32 s10, $0x1;
	s10 =	sld [smem:$0x3FB9];
	_ =	sdelay $0x3  }
0x34: {  	[smem:$0x3FB9] =	sst s10  }
0x35: {  	s10 =	sld [smem:$0x3FB8];
	_ =	sdelay $0x3  }
0x36: {  	p1 =	seq.s32 s10, $0x1;
	s10 =	sld [smem:$0x3FB9];
	_ =	sdelay $0x3  }
0x37: {  	[smem:$0x3FB9] =	sst s10  }
0x38: {  	s10 =	sld [smem:$0x3FBA]  }
0x39: {  	_ = 	snop;
	(pc) =	sbr.ind lr, $3  }
0x3a: {  	_ = 	snop  }
0x3b: {  	_ = 	snop  }
0x3c: {  	p2 =	seq.s32 s10, $0x1;
	s10 =	sld [smem:$0x3FB9]  }
0x3d: {  	_ =	shalt  }
0x3e: {  	_ =	shalt  }
0x3f: {  	_ =	shalt  }
0x40: {  	_ =	shalt  }
0x41: {  	_ =	shalt  }
0x42: {  	_ =	shalt  }
0x43: {  	_ =	shalt  }
0x44: {  	_ =	shalt  }
0x45: {  	_ =	shalt  }
0x46: {  	_ =	shalt  }
0x47: {  	_ =	shalt  }
0x48: {  	_ =	shalt  }
0x49: {  	_ =	shalt  }
0x4a: {  	_ =	shalt  }
0x4b: {  	_ =	shalt  }
0x4c: {  	_ =	shalt  }
0x4d: {  	_ =	shalt  }
0x4e: {  	_ =	shalt  }
0x4f: {  	_ =	shalt  }
0x50: {  	_ =	shalt  }
0x51: {  	_ =	shalt  }
0x52: {  	_ =	shalt  }
0x53: {  	_ =	shalt  }
0x54: {  	_ =	shalt  }
0x55: {  	_ =	shalt  }
0x56: {  	_ =	shalt  }
0x57: {  	_ =	shalt  }
0x58: {  	_ =	shalt  }
0x59: {  	_ =	shalt  }
0x5a: {  	_ =	shalt  }
0x5b: {  	_ =	shalt  }
0x5c: {  	_ =	shalt  }
0x5d: {  	_ =	shalt  }
0x5e: {  	_ =	shalt  }
0x5f: {  	_ =	shalt  }
0x60: {  	_ =	shalt  }
0x61: {  	_ =	shalt  }
0x62: {  	_ =	shalt  }
0x63: {  	_ =	shalt  }
0x64: {  	_ =	shalt  }
0x65: {  	_ =	shalt  }
0x66: {  	_ =	shalt  }
0x67: {  	_ =	shalt  }
0x68: {  	_ =	shalt  }
0x69: {  	_ =	shalt  }
0x6a: {  	_ =	shalt  }
0x6b: {  	_ =	shalt  }
0x6c: {  	_ =	shalt  }
0x6d: {  	_ =	shalt  }
0x6e: {  	_ =	shalt  }
0x6f: {  	_ =	shalt  }
0x70: {  	_ =	shalt  }
0x71: {  	_ =	shalt  }
0x72: {  	_ =	shalt  }
0x73: {  	_ =	shalt  }
0x74: {  	_ =	shalt  }
0x75: {  	_ =	shalt  }
0x76: {  	_ =	shalt  }
0x77: {  	_ =	shalt  }
0x78: {  	_ =	shalt  }
0x79: {  	_ =	shalt  }
0x7a: {  	_ =	shalt  }
0x7b: {  	_ =	shalt  }
0x7c: {  	_ =	shalt  }
0x7d: {  	_ =	shalt  }
0x7e: {  	_ =	shalt  }
0x7f: {  	_ =	shalt  }
0x80: {  	_ =	shalt  }
0x81: {  	_ =	shalt  }
0x82: {  	_ =	shalt  }
0x83: {  	_ =	shalt  }
0x84: {  	_ =	shalt  }
0x85: {  	_ =	shalt  }
0x86: {  	_ =	shalt  }
0x87: {  	_ =	shalt  }
.Lfunc_end0:
.L_simem_size_0:
called_computation_lowered:
.L_overlay_start_0:
0x88: {  	s2 =	sld [smem:$0x3FD9]  }
0x89: {  	s3 =	sld [smem:$0x3FFE];
	_ =	sdelay $0x1  }
0x8a: {  	s1 =	srdreg.scid  }
0x8b: {  	s0 =	sand.u32 $0x1, s1  }
0x8c: {  	s17 =	sshll.u32 s0, $0xA;
	s2 =	sadd.s32 s3, s2  }
0x8d: {  	s2 =	sadd.s32 s2, s17  }
0x8e: {  	[smem:$0x3FC5] =	sst s2  }
0x8f: {  	_ = 	snop  }
0x90: {  	s2 =	sld [smem:$0x3FC9]  }
0x91: {  	s18 =	sld [smem:$0x3FD0];
	(tm) =	ssettm $0x1  }
0x92: {  	s4 =	sld [smem:$0x3FFB];
	_ =	sdelay $0x3  }
0x93: {  	_ =	strace s4  }
0x94: {  	s4 =	sld [smem:$0x3FFC];
	_ =	sdelay $0x3  }
0x95: {  	_ =	strace s4  }
0x96: {  	s4 =	sld [smem:$0x3FFD];
	_ =	sdelay $0x3  }
0x97: {  	_ =	strace s4  }
0x98: {  	_ =	strace $0x8FFFFFFF  }
0x99: {  	s19 =	sld [smem:$0x3FDB];
	_ =	sdelay $0x1  }
0x9a: {  	s5 =	simm.s32 $_scs_section_size  }
0x9b: {  	s6 =	simm.s32 $_size__tile_overlayer_lowered;
	s7 =	simm.s32 $_tile_overlayer_lowered  }
0x9c: {  	s22 =	simm.s32 $0x1BFF;
	s21 =	sshll.u32 s7, $0x1;
	s4 =	sadd.s32 s5, s19  }
0x9d: {  	s8 =	simm.s32 $0x0;
	s20 =	sshll.u32 s6, $0x1;
	s6 =	sadd.s32 s21, s4  }
0x9e: {  	[timem:s8], [sflag:s22] =	dma.local [hbm:s6], s20  }
0x9f: {  	_ =	swait.ge [sflag:s22], s20  }
0xa0: {  	s5 =	ssub.s32 $0x0, s20;
	[sflag:s22] =	ssyncset.done $0x0  }
0xa1: {  	[sflag:s22] =	ssyncadd.s32 s5;
	_ =	sdelay $0x1  }
0xa2: {  	s23 =	simm.s32 $0x1B8B  }
0xa3: {  	_ =	swait.ge [sflag:s23], $0x1  }
0xa4: {  	[sflag:s23] =	ssyncset.done $0x0  }
0xa5: {  	s25 =	simm.s32 $0x1B8E;
	s24 =	sld [smem:$0x3FFE];
	[sflag:s23] =	ssyncadd.s32 $0xFFFFFFFF  }
0xa6: {  	s26 =	simm.s32 $execute0_lowered;
	[smem:$0x3FD2] =	sst s25  }
0xa7: {  	s6 =	sshll.u32 s26, $0x1;
	_ =	strace $0x80000046;
	[dreg:$0x1] =	wrdreg $0xFFFFFFFF  }
0xa8: {  	s28 =	simm.s32 $_size_execute0_lowered;
	s4 =	sadd.s32 s4, s6;
	[dreg:$0x0] =	wrdreg $0x0  }
0xa9: {  	s6 =	sshll.u32 s28, $0x1;
	[dreg:$0x2] =	wrdreg s4  }
0xaa: {  	[dreg:$0x3] =	wrdreg s6  }
0xab: {  	[dreg:$0x4] =	wrdreg $0xC0  }
0xac: {  	_ =	task [dreg:s8], $0x5FFFF  }
0xad: {  	[dreg:$0x1] =	wrdreg $0xFFFFFFFF  }
0xae: {  	[dreg:$0x0] =	wrdreg $0x60  }
0xaf: {  	[dreg:$0x2] =	wrdreg s2  }
0xb0: {  	[dreg:$0x3] =	wrdreg s18  }
0xb1: {  	[dreg:$0x4] =	wrdreg s24  }
0xb2: {  	[dreg:$0x5] =	wrdreg $0xA8000  }
0xb3: {  	[dreg:$0x6] =	wrdreg $0x9  }
0xb4: {  	_ =	task.clear_ibuf [dreg:s8], $0x7FFFF;
	_ =	strace $0x90000046  }
0xb5: {  	s29 =	simm.s32 $0x9;
	_ =	strace $0x80000048  }
0xb6: {  	_ =	swait.ge [sflag:s29], $0x1  }
0xb7: {  	[sflag:s29] =	ssyncadd.s32 $0xFFFFFFFF  }
0xb8: {  	_ =	strace $0x90000048  }
0xb9: {  	_ =	sfence  }
0xba: {  	s30 =	sld [smem:$0x0];
	_ =	sdelay $0x2  }
0xbb: {  	s31 =	sshll.u32 s1, $0xD;
	s1 =	sshrl.u32 s1, $0x2  }
0xbc: {  	s3 =	sand.u32 $0x4000, s31;
	s1 =	sadd.s32 s1, s30  }
0xbd: {  	s0 =	sor.u32 s3, s0;
	s1 =	sshll.u32 s1, $0x11  }
0xbe: {  	s0 =	sor.u32 s1, s0  }
0xbf: {  	s0 =	sadd.s32 $0x8F2B, s0  }
0xc0: {  	[sflag:s0] =	ssyncadd.remote.s32 $0x1  }
0xc1: {  	_ =	sfence.sel $0xFFFF  }
0xc2: {  	[dreg:$0x0] =	wrdreg $0xFFFFFFFF;
	(pc) =	sbr.abs _section_cstart, $3  }
0xc3: {  	[dreg:$0x1] =	wrdreg $0xFFFFFFFF  }
0xc4: {  	_ =	task.clear_ibuf [dreg:s8], $0x2FFFF;
	_ =	strace $0x9FFFFFFF  }
0xc5: {  	(tm) =	ssettm $0x7FFFFFFF  }
tec
execute0_lowered:
.L_overlay_start_1:
0x0: {  	(tag) =	ssettag $0x1  }
0x1: {  	s0 =	rddreg [dreg:$0x0]  }
0x2: {  	s1 =	rddreg [dreg:$0x1]  }
0x3: {  	s5 =	rddreg [dreg:$0x2]  }
0x4: {  	s2 =	srdreg.scid;
	s3 =	rddreg [dreg:$0x3];
	s4 =	simm.s32 $0x0  }
0x5: {  	s19 =	simm.s32 $0x3;
	s20 =	simm.s32 $0x80;
	s21 =	simm.s32 $0x1400  }
0x6: {  	s22 =	simm.s32 $0x6800;
	s23 =	simm.s32 $0x1;
	s25 =	simm.s32 $0x2  }
0x7: {  	s28 =	simm.s32 $0x0;
	s6 =	sand.u32 $0x1, s2;
	s2 =	stileid.u32  }
0x8: {  	[smem:$0x7FF] =	sst s4;
	s14 =	sadd.s32 $0x9B00, s1;
	s7 =	smul.u32 $0x140000, s6  }
0x9: {  	s15 =	sadd.s32 $0x13780, s1;
	s8 =	smul.u32 $0x14000, s2;
	s26 =	sshll.u32 s2, $0x1  }
0xa: {  	s9 =	smul.u32 $0x50000, s2;
	_ =	strace $0x80000047;
	s18 =	sor.u32 s6, s26  }
0xb: {  	s6 =	ssub.s32 $0x2, s6;
	s26 =	simm.s32 $0x2780;
	s7 =	sadd.s32 s8, s7  }
0xc: {  	s29 =	sshrl.u32 s9, $0x2;
	s30 =	smul.u32 $0x2800, s18;
	s31 =	sshrl.u32 s6, $0x1  }
0xd: {  	p0 =	seq.s32 s18, $0x1F;
	s18 =	simm.s32 $0x2800;
	s7 =	sshrl.u32 s7, $0x3  }
.Ltmp0:
0xe: {  	s17 =	ssub.s32 s6, s31;
	s16 =	sadd.s32 s7, s5;
	(pc) =	sbr.rel .LBB2_1-.Ltmp0, $4  }
0xf: {  	s5 =	sadd.s32 s29, s3;
	s9 =	sshrl.u32 s30, $0x3;
	s17 =	smax.u32 s17, $0x1  }
0x10: {  	s6 =	sadd.s32 $0x4000, s5;
	s7 =	sadd.s32 $0x8000, s5;
	s8 =	sadd.s32 $0xC000, s5  }
0x11: {  	s9 =	sadd.s32 s1, s9;
	s10 =	sadd.s32 $0x10000, s5;
	s16 =	sadd.s32 $0x1000, s16  }
0x12: {  	v0 =	vimm.f32 $0.0e+00;
	s11 =	sadd.s32 $0x9C80, s9;
	s12 =	sadd.s32 $0x280, s9;
	s13 =	sadd.s32 $0x9F00, s9  }
.LBB2_10:
0x13: {  	[tilespmem:s4], [sflag:$0x3] =	stream.linear.gather [hbm4b:s14+s4], $0xC00, $0x38;
	[tilespmem:$0x1E800] =	vst v63  }
0x14: {  	_ =	swait.ge [sflag:s19], $0xC00  }
0x15: {  	[sflag:s19] =	ssyncset.done $0x0  }
0x16: {  	[sflag:s19] =	ssyncadd.s32 $0xFFFFF400  }
0x17: {  	[tilespmem:s18], [sflag:$0x1] =	stream.indirect.gather [hbm4b:s0+s20], $0x80, s4, s20, $0xb8;
	[tilespmem:$0x1E800] =	vst v63  }
0x18: {  	_ = 	snop  }
0x19: {  	[tilespmem:s21], [sflag:$0x3] =	stream.linear.gather [hbm4b:s15+s4], $0xC00, $0x38;
	[tilespmem:$0x1E800] =	vst v63  }
0x1a: {  	_ =	swait.ge [sflag:s19], $0xC00  }
0x1b: {  	[sflag:s19] =	ssyncset.done $0x0  }
0x1c: {  	[sflag:s19] =	ssyncadd.s32 $0xFFFFF400  }
0x1d: {  	[tilespmem:s22], [sflag:$0x2] =	stream.indirect.gather [hbm4b:s0+s20], $0x80, s20, s20, $0xb8;
	[tilespmem:$0x1E800] =	vst v63  }
0x1e: {  	_ =	swait.ge [sflag:s23], $0x4000  }
0x1f: {  	[sflag:s23] =	ssyncset.done $0x0  }
0x20: {  	[sflag:s23] =	ssyncadd.s32 $0xFFFFC000  }
0x21: {  	[spmem:s3] =	stream.indirect.scatter.add.f32 [tilespmem:s18], [sflag:$0x3], $0x80, s21, s20, $0xb8;
	[tilespmem:$0x1E800] =	vst v63  }
0x22: {  	_ =	swait.ge [sflag:s19], $0x4000  }
0x23: {  	[sflag:s19] =	ssyncset.done $0x0  }
0x24: {  	s1 =	simm.s32 $0x100;
	[sflag:s19] =	ssyncadd.s32 $0xFFFFC000  }
0x25: {  	[tilespmem:s18], [sflag:$0x1] =	stream.indirect.gather [hbm4b:s0+s20], $0x80, s1, s20, $0xb8;
	[tilespmem:$0x1E800] =	vst v63  }
0x26: {  	_ =	swait.ge [sflag:s25], $0x4000  }
0x27: {  	[sflag:s25] =	ssyncset.done $0x0  }
0x28: {  	s24 =	simm.s32 $0x1480;
	[sflag:s25] =	ssyncadd.s32 $0xFFFFC000  }
0x29: {  	[spmem:s3] =	stream.indirect.scatter.add.f32 [tilespmem:s22], [sflag:$0x3], $0x80, s24, s20, $0xb8;
	[tilespmem:$0x1E800] =	vst v63  }
0x2a: {  	_ =	swait.ge [sflag:s19], $0x4000  }
0x2b: {  	[sflag:s19] =	ssyncset.done $0x0  }
0x2c: {  	s24 =	simm.s32 $0x180;
	[sflag:s19] =	ssyncadd.s32 $0xFFFFC000  }
0x2d: {  	[tilespmem:s22], [sflag:$0x2] =	stream.indirect.gather [hbm4b:s0+s20], $0x80, s24, s20, $0xb8;
	[tilespmem:$0x1E800] =	vst v63  }
0x2e: {  	_ =	swait.ge [sflag:s23], $0x4000  }
0x2f: {  	[sflag:s23] =	ssyncset.done $0x0  }
0x30: {  	s24 =	simm.s32 $0x1500;
	[sflag:s23] =	ssyncadd.s32 $0xFFFFC000  }
0x31: {  	[spmem:s3] =	stream.indirect.scatter.add.f32 [tilespmem:s18], [sflag:$0x3], $0x80, s24, s20, $0xb8;
	[tilespmem:$0x1E800] =	vst v63  }
0x32: {  	_ =	swait.ge [sflag:s19], $0x4000  }
0x33: {  	[sflag:s19] =	ssyncset.done $0x0  }
0x34: {  	s24 =	simm.s32 $0x200;
	[sflag:s19] =	ssyncadd.s32 $0xFFFFC000  }
0x35: {  	[tilespmem:s18], [sflag:$0x1] =	stream.indirect.gather [hbm4b:s0+s20], $0x80, s24, s20, $0xb8;
	[tilespmem:$0x1E800] =	vst v63  }
0x36: {  	_ =	swait.ge [sflag:s25], $0x4000  }
0x37: {  	[sflag:s25] =	ssyncset.done $0x0  }
0x38: {  	s24 =	simm.s32 $0x1580;
	[sflag:s25] =	ssyncadd.s32 $0xFFFFC000  }
0x39: {  	[spmem:s3] =	stream.indirect.scatter.add.f32 [tilespmem:s22], [sflag:$0x3], $0x80, s24, s20, $0xb8;
	[tilespmem:$0x1E800] =	vst v63  }
0x3a: {  	_ =	swait.ge [sflag:s19], $0x4000  }
0x3b: {  	[sflag:s19] =	ssyncset.done $0x0  }
0x3c: {  	s24 =	simm.s32 $0x280;
	[sflag:s19] =	ssyncadd.s32 $0xFFFFC000  }
0x3d: {  	[tilespmem:s22], [sflag:$0x2] =	stream.indirect.gather [hbm4b:s0+s20], $0x80, s24, s20, $0xb8;
	[tilespmem:$0x1E800] =	vst v63  }
0x3e: {  	_ =	swait.ge [sflag:s23], $0x4000  }
0x3f: {  	[sflag:s23] =	ssyncset.done $0x0  }
0x40: {  	s24 =	simm.s32 $0x1600;
	[sflag:s23] =	ssyncadd.s32 $0xFFFFC000  }
0x41: {  	[spmem:s3] =	stream.indirect.scatter.add.f32 [tilespmem:s18], [sflag:$0x3], $0x80, s24, s20, $0xb8;
	[tilespmem:$0x1E800] =	vst v63  }
0x42: {  	_ =	swait.ge [sflag:s19], $0x4000  }
0x43: {  	[sflag:s19] =	ssyncset.done $0x0  }
0x44: {  	s24 =	simm.s32 $0x300;
	[sflag:s19] =	ssyncadd.s32 $0xFFFFC000  }
0x45: {  	[tilespmem:s18], [sflag:$0x1] =	stream.indirect.gather [hbm4b:s0+s20], $0x80, s24, s20, $0xb8;
	[tilespmem:$0x1E800] =	vst v63  }
0x46: {  	_ =	swait.ge [sflag:s25], $0x4000  }
0x47: {  	[sflag:s25] =	ssyncset.done $0x0  }
0x48: {  	s24 =	simm.s32 $0x1680;
	[sflag:s25] =	ssyncadd.s32 $0xFFFFC000  }
0x49: {  	[spmem:s3] =	stream.indirect.scatter.add.f32 [tilespmem:s22], [sflag:$0x3], $0x80, s24, s20, $0xb8;
	[tilespmem:$0x1E800] =	vst v63  }
0x4a: {  	_ =	swait.ge [sflag:s19], $0x4000  }
0x4b: {  	[sflag:s19] =	ssyncset.done $0x0  }
0x4c: {  	s24 =	simm.s32 $0x380;
	[sflag:s19] =	ssyncadd.s32 $0xFFFFC000  }
0x4d: {  	[tilespmem:s22], [sflag:$0x2] =	stream.indirect.gather [hbm4b:s0+s20], $0x80, s24, s20, $0xb8;
	[tilespmem:$0x1E800] =	vst v63  }
0x4e: {  	_ =	swait.ge [sflag:s23], $0x4000  }
0x4f: {  	[sflag:s23] =	ssyncset.done $0x0  }
0x50: {  	s24 =	simm.s32 $0x1700;
	[sflag:s23] =	ssyncadd.s32 $0xFFFFC000  }
0x51: {  	[spmem:s3] =	stream.indirect.scatter.add.f32 [tilespmem:s18], [sflag:$0x3], $0x80, s24, s20, $0xb8;
	[tilespmem:$0x1E800] =	vst v63  }
0x52: {  	_ =	swait.ge [sflag:s19], $0x4000  }
0x53: {  	[sflag:s19] =	ssyncset.done $0x0  }
0x54: {  	s24 =	simm.s32 $0x400;
	[sflag:s19] =	ssyncadd.s32 $0xFFFFC000  }
0x55: {  	[tilespmem:s18], [sflag:$0x1] =	stream.indirect.gather [hbm4b:s0+s20], $0x80, s24, s20, $0xb8;
	[tilespmem:$0x1E800] =	vst v63  }
0x56: {  	_ =	swait.ge [sflag:s25], $0x4000  }
0x57: {  	[sflag:s25] =	ssyncset.done $0x0  }
0x58: {  	s24 =	simm.s32 $0x1780;
	[sflag:s25] =	ssyncadd.s32 $0xFFFFC000  }
0x59: {  	[spmem:s3] =	stream.indirect.scatter.add.f32 [tilespmem:s22], [sflag:$0x3], $0x80, s24, s20, $0xb8;
	[tilespmem:$0x1E800] =	vst v63  }
0x5a: {  	_ =	swait.ge [sflag:s19], $0x4000  }
0x5b: {  	[sflag:s19] =	ssyncset.done $0x0  }
0x5c: {  	s24 =	simm.s32 $0x480;
	[sflag:s19] =	ssyncadd.s32 $0xFFFFC000  }
0x5d: {  	[tilespmem:s22], [sflag:$0x2] =	stream.indirect.gather [hbm4b:s0+s20], $0x80, s24, s20, $0xb8;
	[tilespmem:$0x1E800] =	vst v63  }
0x5e: {  	_ =	swait.ge [sflag:s23], $0x4000  }
0x5f: {  	[sflag:s23] =	ssyncset.done $0x0  }
0x60: {  	s24 =	simm.s32 $0x1800;
	[sflag:s23] =	ssyncadd.s32 $0xFFFFC000  }
0x61: {  	[spmem:s3] =	stream.indirect.scatter.add.f32 [tilespmem:s18], [sflag:$0x3], $0x80, s24, s20, $0xb8;
	[tilespmem:$0x1E800] =	vst v63  }
0x62: {  	_ =	swait.ge [sflag:s19], $0x4000  }
0x63: {  	[sflag:s19] =	ssyncset.done $0x0  }
0x64: {  	s24 =	simm.s32 $0x500;
	[sflag:s19] =	ssyncadd.s32 $0xFFFFC000  }
0x65: {  	[tilespmem:s18], [sflag:$0x1] =	stream.indirect.gather [hbm4b:s0+s20], $0x80, s24, s20, $0xb8;
	[tilespmem:$0x1E800] =	vst v63  }
0x66: {  	_ =	swait.ge [sflag:s25], $0x4000  }
0x67: {  	[sflag:s25] =	ssyncset.done $0x0  }
0x68: {  	s24 =	simm.s32 $0x1880;
	[sflag:s25] =	ssyncadd.s32 $0xFFFFC000  }
0x69: {  	[spmem:s3] =	stream.indirect.scatter.add.f32 [tilespmem:s22], [sflag:$0x3], $0x80, s24, s20, $0xb8;
	[tilespmem:$0x1E800] =	vst v63  }
0x6a: {  	_ =	swait.ge [sflag:s19], $0x4000  }
0x6b: {  	[sflag:s19] =	ssyncset.done $0x0  }
0x6c: {  	s24 =	simm.s32 $0x580;
	[sflag:s19] =	ssyncadd.s32 $0xFFFFC000  }
0x6d: {  	[tilespmem:s22], [sflag:$0x2] =	stream.indirect.gather [hbm4b:s0+s20], $0x80, s24, s20, $0xb8;
	[tilespmem:$0x1E800] =	vst v63  }
0x6e: {  	_ =	swait.ge [sflag:s23], $0x4000  }
0x6f: {  	[sflag:s23] =	ssyncset.done $0x0  }
0x70: {  	s24 =	simm.s32 $0x1900;
	[sflag:s23] =	ssyncadd.s32 $0xFFFFC000  }
0x71: {  	[spmem:s3] =	stream.indirect.scatter.add.f32 [tilespmem:s18], [sflag:$0x3], $0x80, s24, s20, $0xb8;
	[tilespmem:$0x1E800] =	vst v63  }
0x72: {  	_ =	swait.ge [sflag:s19], $0x4000  }
0x73: {  	[sflag:s19] =	ssyncset.done $0x0  }
0x74: {  	s24 =	simm.s32 $0x600;
	[sflag:s19] =	ssyncadd.s32 $0xFFFFC000  }
0x75: {  	[tilespmem:s18], [sflag:$0x1] =	stream.indirect.gather [hbm4b:s0+s20], $0x80, s24, s20, $0xb8;
	[tilespmem:$0x1E800] =	vst v63  }
0x76: {  	_ =	swait.ge [sflag:s25], $0x4000  }
0x77: {  	[sflag:s25] =	ssyncset.done $0x0  }
0x78: {  	s24 =	simm.s32 $0x1980;
	[sflag:s25] =	ssyncadd.s32 $0xFFFFC000  }
0x79: {  	[spmem:s3] =	stream.indirect.scatter.add.f32 [tilespmem:s22], [sflag:$0x3], $0x80, s24, s20, $0xb8;
	[tilespmem:$0x1E800] =	vst v63  }
0x7a: {  	_ =	swait.ge [sflag:s19], $0x4000  }
0x7b: {  	[sflag:s19] =	ssyncset.done $0x0  }
0x7c: {  	s24 =	simm.s32 $0x680;
	[sflag:s19] =	ssyncadd.s32 $0xFFFFC000  }
0x7d: {  	[tilespmem:s22], [sflag:$0x2] =	stream.indirect.gather [hbm4b:s0+s20], $0x80, s24, s20, $0xb8;
	[tilespmem:$0x1E800] =	vst v63  }
0x7e: {  	_ =	swait.ge [sflag:s23], $0x4000  }
0x7f: {  	[sflag:s23] =	ssyncset.done $0x0  }
0x80: {  	s24 =	simm.s32 $0x1A00;
	[sflag:s23] =	ssyncadd.s32 $0xFFFFC000  }
0x81: {  	[spmem:s3] =	stream.indirect.scatter.add.f32 [tilespmem:s18], [sflag:$0x3], $0x80, s24, s20, $0xb8;
	[tilespmem:$0x1E800] =	vst v63  }
0x82: {  	_ =	swait.ge [sflag:s19], $0x4000  }
0x83: {  	[sflag:s19] =	ssyncset.done $0x0  }
0x84: {  	s24 =	simm.s32 $0x700;
	[sflag:s19] =	ssyncadd.s32 $0xFFFFC000  }
0x85: {  	[tilespmem:s18], [sflag:$0x1] =	stream.indirect.gather [hbm4b:s0+s20], $0x80, s24, s20, $0xb8;
	[tilespmem:$0x1E800] =	vst v63  }
0x86: {  	_ =	swait.ge [sflag:s25], $0x4000  }
0x87: {  	[sflag:s25] =	ssyncset.done $0x0  }
0x88: {  	s24 =	simm.s32 $0x1A80;
	[sflag:s25] =	ssyncadd.s32 $0xFFFFC000  }
0x89: {  	[spmem:s3] =	stream.indirect.scatter.add.f32 [tilespmem:s22], [sflag:$0x3], $0x80, s24, s20, $0xb8;
	[tilespmem:$0x1E800] =	vst v63  }
0x8a: {  	_ =	swait.ge [sflag:s19], $0x4000  }
0x8b: {  	[sflag:s19] =	ssyncset.done $0x0  }
0x8c: {  	s24 =	simm.s32 $0x780;
	[sflag:s19] =	ssyncadd.s32 $0xFFFFC000  }
0x8d: {  	[tilespmem:s22], [sflag:$0x2] =	stream.indirect.gather [hbm4b:s0+s20], $0x80, s24, s20, $0xb8;
	[tilespmem:$0x1E800] =	vst v63  }
0x8e: {  	_ =	swait.ge [sflag:s23], $0x4000  }
0x8f: {  	[sflag:s23] =	ssyncset.done $0x0  }
0x90: {  	s24 =	simm.s32 $0x1B00;
	[sflag:s23] =	ssyncadd.s32 $0xFFFFC000  }
0x91: {  	[spmem:s3] =	stream.indirect.scatter.add.f32 [tilespmem:s18], [sflag:$0x3], $0x80, s24, s20, $0xb8;
	[tilespmem:$0x1E800] =	vst v63  }
0x92: {  	_ =	swait.ge [sflag:s19], $0x4000  }
0x93: {  	[sflag:s19] =	ssyncset.done $0x0  }
0x94: {  	s24 =	simm.s32 $0x800;
	[sflag:s19] =	ssyncadd.s32 $0xFFFFC000  }
0x95: {  	[tilespmem:s18], [sflag:$0x1] =	stream.indirect.gather [hbm4b:s0+s20], $0x80, s24, s20, $0xb8;
	[tilespmem:$0x1E800] =	vst v63  }
0x96: {  	_ =	swait.ge [sflag:s25], $0x4000  }
0x97: {  	[sflag:s25] =	ssyncset.done $0x0  }
0x98: {  	s24 =	simm.s32 $0x1B80;
	[sflag:s25] =	ssyncadd.s32 $0xFFFFC000  }
0x99: {  	[spmem:s3] =	stream.indirect.scatter.add.f32 [tilespmem:s22], [sflag:$0x3], $0x80, s24, s20, $0xb8;
	[tilespmem:$0x1E800] =	vst v63  }
0x9a: {  	_ =	swait.ge [sflag:s19], $0x4000  }
0x9b: {  	[sflag:s19] =	ssyncset.done $0x0  }
0x9c: {  	s24 =	simm.s32 $0x880;
	[sflag:s19] =	ssyncadd.s32 $0xFFFFC000  }
0x9d: {  	[tilespmem:s22], [sflag:$0x2] =	stream.indirect.gather [hbm4b:s0+s20], $0x80, s24, s20, $0xb8;
	[tilespmem:$0x1E800] =	vst v63  }
0x9e: {  	_ =	swait.ge [sflag:s23], $0x4000  }
0x9f: {  	[sflag:s23] =	ssyncset.done $0x0  }
0xa0: {  	s24 =	simm.s32 $0x1C00;
	[sflag:s23] =	ssyncadd.s32 $0xFFFFC000  }
0xa1: {  	[spmem:s3] =	stream.indirect.scatter.add.f32 [tilespmem:s18], [sflag:$0x3], $0x80, s24, s20, $0xb8;
	[tilespmem:$0x1E800] =	vst v63  }
0xa2: {  	_ =	swait.ge [sflag:s19], $0x4000  }
0xa3: {  	[sflag:s19] =	ssyncset.done $0x0  }
0xa4: {  	s24 =	simm.s32 $0x900;
	[sflag:s19] =	ssyncadd.s32 $0xFFFFC000  }
0xa5: {  	[tilespmem:s18], [sflag:$0x1] =	stream.indirect.gather [hbm4b:s0+s20], $0x80, s24, s20, $0xb8;
	[tilespmem:$0x1E800] =	vst v63  }
0xa6: {  	_ =	swait.ge [sflag:s25], $0x4000  }
0xa7: {  	[sflag:s25] =	ssyncset.done $0x0  }
0xa8: {  	s24 =	simm.s32 $0x1C80;
	[sflag:s25] =	ssyncadd.s32 $0xFFFFC000  }
0xa9: {  	[spmem:s3] =	stream.indirect.scatter.add.f32 [tilespmem:s22], [sflag:$0x3], $0x80, s24, s20, $0xb8;
	[tilespmem:$0x1E800] =	vst v63  }
0xaa: {  	_ =	swait.ge [sflag:s19], $0x4000  }
0xab: {  	s29 =	simm.s32 $0x1D80;
	[sflag:s19] =	ssyncset.done $0x0  }
0xac: {  	s30 =	simm.s32 $0x1D00;
	s31 =	simm.s32 $0x980;
	[sflag:s19] =	ssyncadd.s32 $0xFFFFC000  }
.LBB2_11:
0xad: {  	[tilespmem:s22], [sflag:$0x2] =	stream.indirect.gather [hbm4b:s0+s20], $0x80, s31, s20, $0xb8;
	[tilespmem:$0x1E800] =	vst v63  }
0xae: {  	_ =	swait.ge [sflag:s23], $0x4000  }
0xaf: {  	[sflag:s23] =	ssyncset.done $0x0  }
0xb0: {  	[sflag:s23] =	ssyncadd.s32 $0xFFFFC000  }
0xb1: {  	[spmem:s3] =	stream.indirect.scatter.add.f32 [tilespmem:s18], [sflag:$0x3], $0x80, s30, s20, $0xb8;
	[tilespmem:$0x1E800] =	vst v63  }
0xb2: {  	_ =	swait.ge [sflag:s19], $0x4000  }
0xb3: {  	[sflag:s19] =	ssyncset.done $0x0  }
0xb4: {  	[sflag:s19] =	ssyncadd.s32 $0xFFFFC000  }
0xb5: {  	_ =	swait.ge [sflag:s25], $0x4000  }
0xb6: {  	[sflag:s25] =	ssyncset.done $0x0  }
0xb7: {  	[sflag:s25] =	ssyncadd.s32 $0xFFFFC000  }
0xb8: {  	[spmem:s3] =	stream.indirect.scatter.add.f32 [tilespmem:s22], [sflag:$0x3], $0x80, s29, s20, $0xb8;
	[tilespmem:$0x1E800] =	vst v63  }
0xb9: {  	_ =	swait.ge [sflag:s19], $0x4000  }
0xba: {  	s1 =	sshll.u32 s2, $0x6;
	s28 =	sadd.s32 $0x1, s28;
	[sflag:s19] =	ssyncset.done $0x0  }
0xbb: {  	s24 =	sshrl.u32 s5, $0x3;
	p1 =	sne.s32 s28, s17;
	[sflag:s19] =	ssyncadd.s32 $0xFFFFC000  }
.Ltmp1:
0xbc: {  	s1 =	sor.u32 $0x1C03, s1;
	[bflag:$0x0] =	sbarrier.arrive $0xFFFF;
	(pc) =	sbr.rel @!p1 .LBB2_12-.Ltmp1, $4  }
0xbd: {  	[hbm:s16], [sflag:s1] =	dma.local [spmem:s24], $0x2800  }
0xbe: {  	_ =	swait.ge [sflag:s19], $0x2800  }
0xbf: {  	[sflag:s19] =	ssyncset.done $0x0  }
0xc0: {  	[sflag:s19] =	ssyncadd.s32 $0xFFFFD800  }
.LBB2_1:
0xc1: {  	s29 =	simm.s32 $0x0;
	s30 =	simm.s32 $0x200  }
.LBB2_2:
0xc2: {  	p1 =	sne.s32 s30, $0xFE00;
	[tilespmem:s29+$0x2870] =	vst v0  }
0xc3: {  	[tilespmem:s29+$0x2800] =	vst v0  }
0xc4: {  	[tilespmem:s29+$0x2810] =	vst v0  }
.Ltmp2:
0xc5: {  	[tilespmem:s29+$0x2820] =	vst v0;
	(pc) =	sbr.rel @p1 .LBB2_2-.Ltmp2, $4  }
0xc6: {  	[tilespmem:s29+$0x2830] =	vst v0  }
0xc7: {  	[tilespmem:s29+$0x2840] =	vst v0  }
0xc8: {  	[tilespmem:s29+$0x2850] =	vst v0  }
0xc9: {  	[tilespmem:s29+$0x2860] =	vst v0;
	s29 =	sshra.s32 s30, $0x2;
	s30 =	sadd.s32 $0x200, s30  }
0xca: {  	[tilespmem:s29+$0x2870] =	vst v0  }
0xcb: {  	[tilespmem:s29+$0x2800] =	vst v0  }
0xcc: {  	[tilespmem:s29+$0x2810] =	vst v0  }
0xcd: {  	[tilespmem:s29+$0x2820] =	vst v0  }
0xce: {  	[tilespmem:s29+$0x2830] =	vst v0  }
0xcf: {  	[tilespmem:s29+$0x2840] =	vst v0  }
0xd0: {  	[tilespmem:s29+$0x2850] =	vst v0  }
0xd1: {  	[tilespmem:s29+$0x2860] =	vst v0  }
0xd2: {  	[spmem:s5] =	stream.linear.scatter [tilespmem:s18], [sflag:$0x3], $0x4000, $0x38;
	[tilespmem:$0x1E800] =	vst v63  }
0xd3: {  	_ =	swait.ge [sflag:s19], $0x4000  }
0xd4: {  	[sflag:s19] =	ssyncset.done $0x0  }
0xd5: {  	[sflag:s19] =	ssyncadd.s32 $0xFFFFC000  }
0xd6: {  	[spmem:s6] =	stream.linear.scatter [tilespmem:s18], [sflag:$0x3], $0x4000, $0x38;
	[tilespmem:$0x1E800] =	vst v63  }
0xd7: {  	_ =	swait.ge [sflag:s19], $0x4000  }
0xd8: {  	[sflag:s19] =	ssyncset.done $0x0  }
0xd9: {  	[sflag:s19] =	ssyncadd.s32 $0xFFFFC000  }
0xda: {  	[spmem:s7] =	stream.linear.scatter [tilespmem:s18], [sflag:$0x3], $0x4000, $0x38;
	[tilespmem:$0x1E800] =	vst v63  }
0xdb: {  	_ =	swait.ge [sflag:s19], $0x4000  }
0xdc: {  	[sflag:s19] =	ssyncset.done $0x0  }
0xdd: {  	[sflag:s19] =	ssyncadd.s32 $0xFFFFC000  }
0xde: {  	[spmem:s8] =	stream.linear.scatter [tilespmem:s18], [sflag:$0x3], $0x4000, $0x38;
	[tilespmem:$0x1E800] =	vst v63  }
0xdf: {  	_ =	swait.ge [sflag:s19], $0x4000  }
0xe0: {  	[sflag:s19] =	ssyncset.done $0x0  }
0xe1: {  	[sflag:s19] =	ssyncadd.s32 $0xFFFFC000  }
0xe2: {  	[spmem:s10] =	stream.linear.scatter [tilespmem:s18], [sflag:$0x3], $0x4000, $0x38;
	[tilespmem:$0x1E800] =	vst v63  }
.Ltmp3:
0xe3: {  	_ =	swait.ge [sflag:s19], $0x4000;
	(pc) =	sbr.rel @p0 .LBB2_10-.Ltmp3, $3  }
0xe4: {  	[sflag:s19] =	ssyncset.done $0x0  }
0xe5: {  	[sflag:s19] =	ssyncadd.s32 $0xFFFFC000  }
0xe6: {  	[bflag:$0x0] =	sbarrier.arrive $0xFFFF;
	_ =	sdelay $0x1  }
0xe7: {  	s29 =	simm.s32 $0x0  }
0xe8: {  	[tilespmem:s29], [sflag:$0x3] =	stream.linear.gather [hbm4b:s9+s29], $0x1400, $0x38;
	[tilespmem:$0x1E800] =	vst v63  }
0xe9: {  	_ =	swait.ge [sflag:s19], $0x1400  }
0xea: {  	[sflag:s19] =	ssyncset.done $0x0  }
0xeb: {  	[sflag:s19] =	ssyncadd.s32 $0xFFFFEC00  }
0xec: {  	[tilespmem:s18], [sflag:$0x1] =	stream.indirect.gather [hbm4b:s0+s20], $0x80, s29, s20, $0xb8;
	[tilespmem:$0x1E800] =	vst v63  }
0xed: {  	_ = 	snop  }
0xee: {  	[tilespmem:s21], [sflag:$0x3] =	stream.linear.gather [hbm4b:s11+s29], $0x1400, $0x38;
	[tilespmem:$0x1E800] =	vst v63  }
0xef: {  	_ =	swait.ge [sflag:s19], $0x1400  }
0xf0: {  	[sflag:s19] =	ssyncset.done $0x0  }
0xf1: {  	s29 =	simm.s32 $0x80;
	[sflag:s19] =	ssyncadd.s32 $0xFFFFEC00  }
0xf2: {  	[tilespmem:s22], [sflag:$0x2] =	stream.indirect.gather [hbm4b:s0+s20], $0x80, s29, s20, $0xb8;
	[tilespmem:$0x1E800] =	vst v63  }
0xf3: {  	_ =	swait.ge [sflag:s23], $0x4000  }
0xf4: {  	[sflag:s23] =	ssyncset.done $0x0  }
0xf5: {  	s29 =	simm.s32 $0x1400;
	[sflag:s23] =	ssyncadd.s32 $0xFFFFC000  }
0xf6: {  	[spmem:s3] =	stream.indirect.scatter.add.f32 [tilespmem:s18], [sflag:$0x3], $0x80, s29, s20, $0xb8;
	[tilespmem:$0x1E800] =	vst v63  }
0xf7: {  	_ =	swait.ge [sflag:s19], $0x4000  }
0xf8: {  	[sflag:s19] =	ssyncset.done $0x0  }
0xf9: {  	s29 =	simm.s32 $0x100;
	[sflag:s19] =	ssyncadd.s32 $0xFFFFC000  }
0xfa: {  	[tilespmem:s18], [sflag:$0x1] =	stream.indirect.gather [hbm4b:s0+s20], $0x80, s29, s20, $0xb8;
	[tilespmem:$0x1E800] =	vst v63  }
0xfb: {  	_ =	swait.ge [sflag:s25], $0x4000  }
0xfc: {  	[sflag:s25] =	ssyncset.done $0x0  }
0xfd: {  	s29 =	simm.s32 $0x1480;
	[sflag:s25] =	ssyncadd.s32 $0xFFFFC000  }
0xfe: {  	[spmem:s3] =	stream.indirect.scatter.add.f32 [tilespmem:s22], [sflag:$0x3], $0x80, s29, s20, $0xb8;
	[tilespmem:$0x1E800] =	vst v63  }
0xff: {  	_ =	swait.ge [sflag:s19], $0x4000  }
0x100: {  	s30 =	simm.s32 $0x800;
	s29 =	simm.s32 $0x100;
	[sflag:s19] =	ssyncset.done $0x0  }
.LBB2_5:
0x101: {  	s31 =	sadd.s32 $0x80, s29  }
0x102: {  	[sflag:s19] =	ssyncadd.s32 $0xFFFFC000;
	s1 =	smov.u32 s30;
	s24 =	sadd.s32 $0x400, s30  }
0x103: {  	[tilespmem:s22], [sflag:$0x2] =	stream.indirect.gather [hbm4b:s0+s20], $0x80, s31, s20, $0xb8;
	[tilespmem:$0x1E800] =	vst v63  }
0x104: {  	p1 =	sne.s32 s30, $0x4800;
	_ =	swait.ge [sflag:s23], $0x4000  }
0x105: {  	[sflag:s23] =	ssyncset.done $0x0  }
0x106: {  	s30 =	sadd.s32 $0x1400, s29;
	[sflag:s23] =	ssyncadd.s32 $0xFFFFC000  }
0x107: {  	[spmem:s3] =	stream.indirect.scatter.add.f32 [tilespmem:s18], [sflag:$0x3], $0x80, s30, s20, $0xb8;
	[tilespmem:$0x1E800] =	vst v63  }
0x108: {  	_ =	swait.ge [sflag:s19], $0x4000  }
0x109: {  	[sflag:s19] =	ssyncset.done $0x0  }
0x10a: {  	s30 =	sadd.s32 $0x100, s29;
	[sflag:s19] =	ssyncadd.s32 $0xFFFFC000  }
0x10b: {  	[tilespmem:s18], [sflag:$0x1] =	stream.indirect.gather [hbm4b:s0+s20], $0x80, s30, s20, $0xb8;
	[tilespmem:$0x1E800] =	vst v63  }
0x10c: {  	_ =	swait.ge [sflag:s25], $0x4000  }
.Ltmp4:
0x10d: {  	[sflag:s25] =	ssyncset.done $0x0;
	(pc) =	sbr.rel @p1 .LBB2_5-.Ltmp4, $4  }
0x10e: {  	s29 =	sadd.s32 $0x1480, s29;
	[sflag:s25] =	ssyncadd.s32 $0xFFFFC000  }
0x10f: {  	[spmem:s3] =	stream.indirect.scatter.add.f32 [tilespmem:s22], [sflag:$0x3], $0x80, s29, s20, $0xb8;
	[tilespmem:$0x1E800] =	vst v63  }
0x110: {  	_ =	swait.ge [sflag:s19], $0x4000  }
0x111: {  	s30 =	smov.u32 s24;
	s29 =	sshra.s32 s1, $0x2;
	[sflag:s19] =	ssyncset.done $0x0  }
0x112: {  	s1 =	sadd.s32 $0x80, s29;
	[sflag:s19] =	ssyncadd.s32 $0xFFFFC000  }
0x113: {  	[tilespmem:s22], [sflag:$0x2] =	stream.indirect.gather [hbm4b:s0+s20], $0x80, s1, s20, $0xb8;
	[tilespmem:$0x1E800] =	vst v63  }
0x114: {  	_ =	swait.ge [sflag:s23], $0x4000  }
0x115: {  	[sflag:s23] =	ssyncset.done $0x0  }
0x116: {  	s24 =	sadd.s32 $0x1400, s29;
	[sflag:s23] =	ssyncadd.s32 $0xFFFFC000  }
0x117: {  	[spmem:s3] =	stream.indirect.scatter.add.f32 [tilespmem:s18], [sflag:$0x3], $0x80, s24, s20, $0xb8;
	[tilespmem:$0x1E800] =	vst v63  }
0x118: {  	_ =	swait.ge [sflag:s19], $0x4000  }
0x119: {  	[sflag:s19] =	ssyncset.done $0x0  }
0x11a: {  	s30 =	sadd.s32 $0x100, s29;
	[sflag:s19] =	ssyncadd.s32 $0xFFFFC000  }
0x11b: {  	[tilespmem:s18], [sflag:$0x1] =	stream.indirect.gather [hbm4b:s0+s20], $0x80, s30, s20, $0xb8;
	[tilespmem:$0x1E800] =	vst v63  }
0x11c: {  	_ =	swait.ge [sflag:s25], $0x4000  }
0x11d: {  	[sflag:s25] =	ssyncset.done $0x0  }
0x11e: {  	s31 =	sadd.s32 $0x1480, s29;
	[sflag:s25] =	ssyncadd.s32 $0xFFFFC000  }
0x11f: {  	[spmem:s3] =	stream.indirect.scatter.add.f32 [tilespmem:s22], [sflag:$0x3], $0x80, s31, s20, $0xb8;
	[tilespmem:$0x1E800] =	vst v63  }
0x120: {  	_ =	swait.ge [sflag:s19], $0x4000  }
0x121: {  	[sflag:s19] =	ssyncset.done $0x0  }
0x122: {  	s24 =	simm.s32 $0x1380;
	[sflag:s19] =	ssyncadd.s32 $0xFFFFC000  }
0x123: {  	[tilespmem:s22], [sflag:$0x2] =	stream.indirect.gather [hbm4b:s0+s20], $0x80, s24, s20, $0xb8;
	[tilespmem:$0x1E800] =	vst v63  }
0x124: {  	_ =	swait.ge [sflag:s23], $0x4000  }
0x125: {  	[sflag:s23] =	ssyncset.done $0x0  }
0x126: {  	s30 =	simm.s32 $0x2700;
	[sflag:s23] =	ssyncadd.s32 $0xFFFFC000  }
0x127: {  	[spmem:s3] =	stream.indirect.scatter.add.f32 [tilespmem:s18], [sflag:$0x3], $0x80, s30, s20, $0xb8;
	[tilespmem:$0x1E800] =	vst v63  }
0x128: {  	_ =	swait.ge [sflag:s19], $0x4000  }
0x129: {  	[sflag:s19] =	ssyncset.done $0x0  }
0x12a: {  	[sflag:s19] =	ssyncadd.s32 $0xFFFFC000  }
0x12b: {  	_ =	swait.ge [sflag:s25], $0x4000  }
0x12c: {  	[sflag:s25] =	ssyncset.done $0x0  }
0x12d: {  	[sflag:s25] =	ssyncadd.s32 $0xFFFFC000  }
0x12e: {  	[spmem:s3] =	stream.indirect.scatter.add.f32 [tilespmem:s22], [sflag:$0x3], $0x80, s26, s20, $0xb8;
	[tilespmem:$0x1E800] =	vst v63  }
0x12f: {  	_ =	swait.ge [sflag:s19], $0x4000  }
0x130: {  	[sflag:s19] =	ssyncset.done $0x0  }
0x131: {  	s31 =	simm.s32 $0x0;
	[sflag:s19] =	ssyncadd.s32 $0xFFFFC000  }
0x132: {  	[tilespmem:s31], [sflag:$0x3] =	stream.linear.gather [hbm4b:s12+s31], $0x1400, $0x38;
	[tilespmem:$0x1E800] =	vst v63  }
0x133: {  	_ =	swait.ge [sflag:s19], $0x1400  }
0x134: {  	[sflag:s19] =	ssyncset.done $0x0  }
0x135: {  	p2 =	por $0x0, $0x0;
	[sflag:s19] =	ssyncadd.s32 $0xFFFFEC00  }
0x136: {  	[tilespmem:s18], [sflag:$0x1] =	stream.indirect.gather [hbm4b:s0+s20], $0x80, s31, s20, $0xb8;
	[tilespmem:$0x1E800] =	vst v63  }
.Ltmp5:
0x137: {  	_ = 	snop;
	(pc) =	sbr.rel @p2 .LBB2_9-.Ltmp5, $4  }
0x138: {  	[tilespmem:s21], [sflag:$0x3] =	stream.linear.gather [hbm4b:s13+s31], $0x1400, $0x38;
	[tilespmem:$0x1E800] =	vst v63  }
0x139: {  	_ =	swait.ge [sflag:s19], $0x1400  }
0x13a: {  	[sflag:s19] =	ssyncset.done $0x0  }
0x13b: {  	s29 =	simm.s32 $0x0;
	p1 =	por $0x0, $0x0;
	[sflag:s19] =	ssyncadd.s32 $0xFFFFEC00  }
0x13c: {  	s1 =	simm.s32 $0x80  }
0x13d: {  	[tilespmem:s22], [sflag:$0x2] =	stream.indirect.gather [hbm4b:s0+s20], $0x80, s1, s20, $0xb8;
	[tilespmem:$0x1E800] =	vst v63  }
0x13e: {  	_ =	swait.ge [sflag:s23], $0x4000  }
0x13f: {  	[sflag:s23] =	ssyncset.done $0x0  }
0x140: {  	s31 =	simm.s32 $0x1400;
	[sflag:s23] =	ssyncadd.s32 $0xFFFFC000  }
0x141: {  	[spmem:s3] =	stream.indirect.scatter.add.f32 [tilespmem:s18], [sflag:$0x3], $0x80, s31, s20, $0xb8;
	[tilespmem:$0x1E800] =	vst v63  }
0x142: {  	_ =	swait.ge [sflag:s19], $0x4000  }
0x143: {  	[sflag:s19] =	ssyncset.done $0x0  }
0x144: {  	s24 =	simm.s32 $0x100;
	[sflag:s19] =	ssyncadd.s32 $0xFFFFC000  }
0x145: {  	[tilespmem:s18], [sflag:$0x1] =	stream.indirect.gather [hbm4b:s0+s20], $0x80, s24, s20, $0xb8;
	[tilespmem:$0x1E800] =	vst v63  }
0x146: {  	p2 =	por $0x0, $0x0;
	_ =	swait.ge [sflag:s25], $0x4000  }
.Ltmp6:
0x147: {  	[sflag:s25] =	ssyncset.done $0x0;
	(pc) =	sbr.rel @p2 .LBB2_9-.Ltmp6, $4  }
0x148: {  	s31 =	simm.s32 $0x1480;
	[sflag:s25] =	ssyncadd.s32 $0xFFFFC000  }
0x149: {  	[spmem:s3] =	stream.indirect.scatter.add.f32 [tilespmem:s22], [sflag:$0x3], $0x80, s31, s20, $0xb8;
	[tilespmem:$0x1E800] =	vst v63  }
0x14a: {  	s30 =	simm.s32 $0x800;
	_ =	swait.ge [sflag:s19], $0x4000  }
0x14b: {  	s29 =	simm.s32 $0x100;
	p1 =	por $0x1, $0x1;
	[sflag:s19] =	ssyncset.done $0x0  }
.LBB2_8:
0x14c: {  	s1 =	sadd.s32 $0x80, s29  }
0x14d: {  	[sflag:s19] =	ssyncadd.s32 $0xFFFFC000;
	s24 =	smov.u32 s30;
	s31 =	sadd.s32 $0x400, s30  }
0x14e: {  	[tilespmem:s22], [sflag:$0x2] =	stream.indirect.gather [hbm4b:s0+s20], $0x80, s1, s20, $0xb8;
	[tilespmem:$0x1E800] =	vst v63  }
0x14f: {  	p2 =	seq.s32 s30, $0x4800;
	_ =	swait.ge [sflag:s23], $0x4000  }
0x150: {  	[sflag:s23] =	ssyncset.done $0x0  }
0x151: {  	s1 =	sadd.s32 $0x1400, s29;
	[sflag:s23] =	ssyncadd.s32 $0xFFFFC000  }
0x152: {  	[spmem:s3] =	stream.indirect.scatter.add.f32 [tilespmem:s18], [sflag:$0x3], $0x80, s1, s20, $0xb8;
	[tilespmem:$0x1E800] =	vst v63  }
0x153: {  	_ =	swait.ge [sflag:s19], $0x4000  }
0x154: {  	[sflag:s19] =	ssyncset.done $0x0  }
0x155: {  	s1 =	sadd.s32 $0x100, s29;
	[sflag:s19] =	ssyncadd.s32 $0xFFFFC000  }
0x156: {  	[tilespmem:s18], [sflag:$0x1] =	stream.indirect.gather [hbm4b:s0+s20], $0x80, s1, s20, $0xb8;
	[tilespmem:$0x1E800] =	vst v63  }
0x157: {  	_ =	swait.ge [sflag:s25], $0x4000  }
.Ltmp7:
0x158: {  	[sflag:s25] =	ssyncset.done $0x0;
	(pc) =	sbr.rel @!p2 .LBB2_8-.Ltmp7, $4  }
0x159: {  	s1 =	sadd.s32 $0x1480, s29;
	[sflag:s25] =	ssyncadd.s32 $0xFFFFC000  }
0x15a: {  	[spmem:s3] =	stream.indirect.scatter.add.f32 [tilespmem:s22], [sflag:$0x3], $0x80, s1, s20, $0xb8;
	[tilespmem:$0x1E800] =	vst v63  }
0x15b: {  	_ =	swait.ge [sflag:s19], $0x4000  }
0x15c: {  	s30 =	smov.u32 s31;
	s29 =	sshra.s32 s24, $0x2;
	[sflag:s19] =	ssyncset.done $0x0  }
.LBB2_9:
0x15d: {  	s1 =	sadd.s32 $0x80, s29;
	[sflag:s19] =	ssyncadd.s32 @p1 $0xFFFFC000  }
0x15e: {  	[tilespmem:s22], [sflag:$0x2] =	stream.indirect.gather [hbm4b:s0+s20], $0x80, s1, s20, $0xb8;
	[tilespmem:$0x1E800] =	vst v63  }
0x15f: {  	_ =	swait.ge [sflag:s23], $0x4000  }
0x160: {  	[sflag:s23] =	ssyncset.done $0x0  }
0x161: {  	s24 =	sadd.s32 $0x1400, s29;
	[sflag:s23] =	ssyncadd.s32 $0xFFFFC000  }
0x162: {  	[spmem:s3] =	stream.indirect.scatter.add.f32 [tilespmem:s18], [sflag:$0x3], $0x80, s24, s20, $0xb8;
	[tilespmem:$0x1E800] =	vst v63  }
0x163: {  	_ =	swait.ge [sflag:s19], $0x4000  }
0x164: {  	[sflag:s19] =	ssyncset.done $0x0  }
0x165: {  	s24 =	sadd.s32 $0x100, s29;
	[sflag:s19] =	ssyncadd.s32 $0xFFFFC000  }
0x166: {  	[tilespmem:s18], [sflag:$0x1] =	stream.indirect.gather [hbm4b:s0+s20], $0x80, s24, s20, $0xb8;
	[tilespmem:$0x1E800] =	vst v63  }
0x167: {  	_ =	swait.ge [sflag:s25], $0x4000  }
0x168: {  	[sflag:s25] =	ssyncset.done $0x0  }
.Ltmp8:
0x169: {  	s24 =	sadd.s32 $0x1480, s29;
	[sflag:s25] =	ssyncadd.s32 $0xFFFFC000;
	(pc) =	sbr.rel .LBB2_11-.Ltmp8, $4  }
0x16a: {  	[spmem:s3] =	stream.indirect.scatter.add.f32 [tilespmem:s22], [sflag:$0x3], $0x80, s24, s20, $0xb8;
	[tilespmem:$0x1E800] =	vst v63  }
0x16b: {  	_ =	swait.ge [sflag:s19], $0x4000  }
0x16c: {  	s30 =	simm.s32 $0x2700;
	[sflag:s19] =	ssyncset.done $0x0  }
0x16d: {  	s31 =	simm.s32 $0x1380;
	s29 =	simm.s32 $0x2780;
	[sflag:s19] =	ssyncadd.s32 $0xFFFFC000  }
.LBB2_12:
0x16e: {  	_ =	sfence.sel $0x180000  }
0x16f: {  	[bflag:$0x0] =	sbarrier.arrive $0xFFFF  }
0x170: {  	_ =	strace $0x90000047  }
0x171: {  	[bflag:$0x2] =	sbarrier.arrive $0xFFFF  }
0x172: {  	p0 =	sne.s32 s2, $0x0;
	s0 =	rddreg [dreg:$0x4]  }
0x173: {  	s0 =	sadd.s32 @!p0 $0x100000, s0  }
0x174: {  	[sflag:s0] =	ssyncadd.tile.s32 @!p0 $0x1;
	_ =	shalt  }
.Lfunc_end2:
_tile_overlayer_lowered:
.L_overlay_start_2:
0x175: {  	(tag) =	ssettag $0x2  }
0x176: {  	s0 =	rddreg [dreg:$0x0];
	s2 =	stileid.u32  }
0x177: {  	s1 =	rddreg [dreg:$0x1];
	p0 =	sne.s32 s2, $0x0  }
0x178: {  	s3 =	rddreg [dreg:$0x2];
	[bflag:$0x3] =	sbarrier.arrive $0xFFFF;
	s2 =	simm.s32 @!p0 $0x1C03  }
0x179: {  	[timem:s3], [sflag:s2] =	dma.local @!p0 [hbm:s0], s1  }
0x17a: {  	s0 =	simm.s32 @!p0 $0x3  }
0x17b: {  	_ =	swait.ge @!p0 [sflag:s0], s1  }
0x17c: {  	s1 =	ssub.s32 @!p0 $0x0, s1;
	[sflag:s0] =	ssyncset.done @!p0 $0x0  }
0x17d: {  	[sflag:s0] =	ssyncadd.s32 @!p0 s1  }
0x17e: {  	[bflag:$0x3] =	sbarrier.arrive $0xFFFF  }
0x17f: {  	_ =	shalt  }

</sc_bundles>
